<compile_context>
chip_gen: v7x
topology: tpu7x:2x2x1
jax: 0.10.2.dev20260603
libtpu: 0.0.44.dev20260713+nightly
codegen_flags: <defaults>
</compile_context>

<pallas_src>
import functools

import jax
import jax.numpy as jnp
from jax import lax
from jax.experimental import pallas as pl
from jax.experimental.pallas import tpu as pltpu
from jax.experimental.pallas import tpu_sc as plsc

D_MODEL = 64
SCALE = 8.0

NUM_CORES = 2
NUM_SUBCORES = 16
NUM_WORKERS = NUM_CORES * NUM_SUBCORES

CB = 256
N_COLS = 200
N_BATCH = 4096
CHUNKS_PER_COL = N_BATCH // CB
N_CHUNKS = N_COLS * CHUNKS_PER_COL
PER_TILE = N_CHUNKS // NUM_WORKERS


VOCAB = 1000000
TC_BW = 32768
TC_GRID = -(-VOCAB // TC_BW)
T2_ROWS = (TC_GRID - 1) * (TC_BW // 2) + (VOCAB - (TC_GRID - 1) * TC_BW)


def _tc_transpose_scale(tableT):

    def body(x_ref, o_ref):
        t = x_ref[...].T * SCALE
        lo = t[: TC_BW // 2, :]
        hi = t[TC_BW // 2 :, :]
        o_ref[...] = jnp.concatenate([lo, hi], axis=1)

    return pl.pallas_call(
        body,
        grid=(TC_GRID,),
        in_specs=[pl.BlockSpec((D_MODEL, TC_BW), lambda i: (0, i))],
        out_specs=pl.BlockSpec((TC_BW // 2, 128), lambda i: (i, 0)),
        out_shape=jax.ShapeDtypeStruct((T2_ROWS, 128), jnp.float32),
    )(tableT)


GPC = CB // 128
N_G = N_BATCH // 128


@jax.jit
def _embed(idx_flat, table):
    mesh = plsc.VectorSubcoreMesh(core_axis_name="c", subcore_axis_name="s")

    @functools.partial(
        pl.kernel,
        mesh=mesh,
        out_type=jax.ShapeDtypeStruct((N_COLS, 8, N_G, 1024), jnp.float32),
        scratch_types=[
            pltpu.VMEM((CB,), jnp.int32),
            pltpu.VMEM((CB,), jnp.int32),
            pltpu.VMEM((CB, D_MODEL), jnp.float32),
            pltpu.VMEM((CB, D_MODEL), jnp.float32),
            pltpu.VMEM((8 * GPC, 1024), jnp.float32),
            pltpu.VMEM((8 * GPC, 1024), jnp.float32),
            *[pltpu.SemaphoreType.DMA for _ in range(6)],
        ],
        compiler_params=pltpu.CompilerParams(
            use_tc_tiling_on_sc=False, needs_layout_passes=False
        ),
    )
    def emb(idx_hbm, table_hbm, out_hbm,
            idx0, idx1, rows0, rows1, tr0, tr1,
            is0, is1, gs0, gs1, os0, os1):
        idx = (idx0, idx1)
        rows = (rows0, rows1)
        tr = (tr0, tr1)
        isem = (is0, is1)
        gsem = (gs0, gs1)
        osem = (os0, os1)

        wid = lax.axis_index("s") * NUM_CORES + lax.axis_index("c")
        ibase = wid * PER_TILE * CB

        iota = lax.iota(jnp.int32, 16)
        colbase = (iota & 7) << 7
        iotahi = iota >> 3

        def start_idx(b, i):
            pltpu.async_copy(
                idx_hbm.at[pl.ds(ibase + i * CB, CB)], idx[b], isem[b]
            )

        def wait_idx(b):
            pltpu.make_async_copy(
                idx_hbm.at[pl.ds(ibase, CB)], idx[b], isem[b]
            ).wait()

        def start_gather(b, i):
            del i
            pltpu.async_copy(table_hbm.at[idx[b]], rows[b], gsem[b])

        def wait_gather(b):
            pltpu.make_async_copy(
                out_hbm.at[0, 0, pl.ds(0, 8 * GPC), :], rows[b], gsem[b]
            ).wait()

        def transpose_scale(b):
            rb = rows[b]
            tb = tr[b]

            gb_bits = (CB // 16).bit_length() - 1

            @plsc.parallel_loop(0, (D_MODEL // 16) * CB, unroll=4)
            def _(it):
                s = it & 15
                gb = (it >> 4) & (CB // 16 - 1)
                jb = it >> (4 + gb_bits)
                skew = (iota + s) & 15
                rr = gb * 16 + skew
                cc = jb * 16 + iota
                v = plsc.load_gather(rb, [rr, cc])
                row = (gb >> 3) * 8 + jb * 2 + iotahi
                col = colbase + ((gb & 7) * 16 + skew)
                plsc.store_scatter(tb, [row, col], v)

        def start_store(b, i):
            ig = wid * PER_TILE + i
            c = ig // CHUNKS_PER_COL
            k = ig % CHUNKS_PER_COL
            for g in range(GPC):
                pltpu.async_copy(
                    tr[b].at[pl.ds(g * 8, 8), :],
                    out_hbm.at[c, :, GPC * k + g, :],
                    osem[b],
                )

        def wait_store(b):
            for _ in range(GPC):
                pltpu.make_async_copy(
                    tr[b].at[pl.ds(0, 8), :], out_hbm.at[0, :, 0, :], osem[b]
                ).wait()

        pltpu.sync_copy(idx_hbm.at[pl.ds(ibase, CB)], idx0)
        start_idx(1, 1)
        start_gather(0, 0)

        def chunk_body(i, b, first, do_next_gather, do_idx_load):
            wait_gather(b)
            if do_next_gather:
                wait_idx(1 - b)
                start_gather(1 - b, i + 1)
            if do_idx_load:
                start_idx(b, i + 2)
            if not first:
                wait_store(b)
            transpose_scale(b)
            start_store(b, i)

        chunk_body(0, 0, True, True, True)
        chunk_body(1, 1, True, True, True)

        def outer(p, carry):
            i0 = p * 2
            chunk_body(i0, 0, False, True, True)
            chunk_body(i0 + 1, 1, False, True, True)
            return carry

        lax.fori_loop(1, PER_TILE // 2 - 1, outer, 0)

        chunk_body(PER_TILE - 2, 0, False, True, False)
        chunk_body(PER_TILE - 1, 1, False, False, False)

        wait_store(0)
        wait_store(1)

    return emb(idx_flat, table)


@jax.jit
def _full(x, table):
    xT = x.T
    v = xT.reshape(N_COLS * N_BATCH).astype(jnp.int32)
    half_sh = (TC_BW // 2).bit_length() - 1
    idx_flat = (
        (v & -TC_BW) + ((v & (TC_BW // 2 - 1)) << 1) + ((v >> half_sh) & 1)
    )
    table_rm = _tc_transpose_scale(table.T).reshape(2 * T2_ROWS, D_MODEL)
    outP = _embed(idx_flat, table_rm)
    y = (
        outP.reshape(N_COLS, 8, N_G, 8, 128)
        .transpose(0, 1, 3, 2, 4)
        .reshape(N_COLS, D_MODEL, N_BATCH)
    )
    return y.transpose(2, 0, 1)


def kernel(x, table):
    return _full(x, table)

# --- scband reference (transcript-rebuilt; emitter-appended) ---
"""Pipeline reference for scband-input-embeddings-42365557408356 (READ-ONLY COPY).

The authoritative reference and input builder live on the scoring server;
editing this copy changes nothing except your own understanding.
"""

import jax, jax.numpy as jnp
import numpy as np

D_MODEL = 64
VOCAB_SIZE = 1000000

def setup_inputs(seed: int = 0) -> dict:
    key = jax.random.key(seed)
    k1, k2 = jax.random.split(key)
    x = jax.random.randint(k1, (4096, 200), 0, VOCAB_SIZE, dtype=jnp.int64 if jax.config.jax_enable_x64 else jnp.int32)
    table = jax.random.normal(k2, (VOCAB_SIZE, D_MODEL), dtype=jnp.float32)
    return {"x": x, "table": table}

def reference(x, table):
    # InputEmbeddings.forward: embeddings(x) * sqrt(d_model)
    emb = jnp.take(table, x, axis=0)
    return emb * np.sqrt(D_MODEL)

if __name__ == "__main__":
    import jax
    _d = setup_inputs()
    print(jax.jit(kernel)(*tuple(_d.values())))

</pallas_src>

<mosaic_0001>
#map = affine_map<(d0, d1) -> (0)>
#map1 = affine_map<(d0, d1) -> (0, 0)>
#map2 = affine_map<(d0, d1) -> (0, 0, 0, 0)>
module attributes {stable_mosaic.version = 14 : i64} {
  func.func @emb(%arg0: i32, %arg1: i32, %arg2: memref<819200xi32, #tpu.memory_space<hbm>>, %arg3: memref<1016960x64xf32, #tpu.memory_space<hbm>>, %arg4: memref<200x8x32x1024xf32, #tpu.memory_space<hbm>>, %arg5: memref<256xi32, #tpu.memory_space<vmem>>, %arg6: memref<256xi32, #tpu.memory_space<vmem>>, %arg7: memref<256x64xf32, #tpu.memory_space<vmem>>, %arg8: memref<256x64xf32, #tpu.memory_space<vmem>>, %arg9: memref<16x1024xf32, #tpu.memory_space<vmem>>, %arg10: memref<16x1024xf32, #tpu.memory_space<vmem>>, %arg11: memref<!tpu.dma_semaphore, #tpu.memory_space<semaphore_mem>>, %arg12: memref<!tpu.dma_semaphore, #tpu.memory_space<semaphore_mem>>, %arg13: memref<!tpu.dma_semaphore, #tpu.memory_space<semaphore_mem>>, %arg14: memref<!tpu.dma_semaphore, #tpu.memory_space<semaphore_mem>>, %arg15: memref<!tpu.dma_semaphore, #tpu.memory_space<semaphore_mem>>, %arg16: memref<!tpu.dma_semaphore, #tpu.memory_space<semaphore_mem>>) attributes {dimension_semantics = [#tpu.dimension_semantics<core_parallel>, #tpu.dimension_semantics<subcore_parallel>], iteration_bounds = array<i64: 2, 16>, scalar_prefetch = 0 : i64, scratch_operands = 12 : i64, tpu.core_type = #tpu.core_type<sc_vector_subcore>, window_params = [{transform_indices = #map}, {transform_indices = #map1}, {transform_indices = #map2}]} {
    %mul3A = arith.constant 2 : i32
    %mul3A_0 = arith.muli %arg1, %mul3A : i32
    %add3A = arith.addi %mul3A_0, %arg0 : i32
    %mul3A_1 = arith.constant 100 : i32
    %mul3A_2 = arith.muli %add3A, %mul3A_1 : i32
    %mul3A_3 = arith.constant 256 : i32
    %mul3A_4 = arith.muli %mul3A_2, %mul3A_3 : i32
    %iota3A = tpu.iota {dimensions = array<i32: 0>} : vector<16xi32>
    %and3A = arith.constant 7 : i32
    %and3A_5 = vector.broadcast %and3A : i32 to vector<16xi32>
    %and3A_6 = arith.andi %iota3A, %and3A_5 : vector<16xi32>
    %shift_left3A = arith.constant 7 : i32
    %shift_left3A_7 = vector.broadcast %shift_left3A : i32 to vector<16xi32>
    %shift_left3A_8 = arith.shli %and3A_6, %shift_left3A_7 : vector<16xi32>
    %shift_right_arithmetic3A = arith.constant 3 : i32
    %shift_right_arithmetic3A_9 = vector.broadcast %shift_right_arithmetic3A : i32 to vector<16xi32>
    %shift_right_arithmetic3A_10 = arith.shrsi %iota3A, %shift_right_arithmetic3A_9 : vector<16xi32>
    "tpu.region"() ({
      %run_scoped3A = tpu.sem_alloc : memref<!tpu.dma_semaphore, #tpu.memory_space<semaphore_mem>>
      %dma_start3A_534 = tpu.memref_slice %arg2[%mul3A_4] : memref<819200xi32, #tpu.memory_space<hbm>> -> memref<256xi32, #tpu.memory_space<hbm>>
      %dma_start3A_535 = tpu.memref_slice %arg2[%mul3A_4] : memref<819200xi32, #tpu.memory_space<hbm>> -> memref<256xi32, #tpu.memory_space<hbm>>
      tpu.enqueue_dma source(%dma_start3A_535 : memref<256xi32, #tpu.memory_space<hbm>>) target(%arg5 : memref<256xi32, #tpu.memory_space<vmem>>) target_semaphore(%run_scoped3A : memref<!tpu.dma_semaphore, #tpu.memory_space<semaphore_mem>>)
      %dma_wait3A_536 = tpu.memref_slice %arg2[%mul3A_4] : memref<819200xi32, #tpu.memory_space<hbm>> -> memref<256xi32, #tpu.memory_space<hbm>>
      %dma_wait3A_537 = tpu.memref_slice %arg2[%mul3A_4] : memref<819200xi32, #tpu.memory_space<hbm>> -> memref<256xi32, #tpu.memory_space<hbm>>
      tpu.wait_dma2 semaphore(%run_scoped3A : memref<!tpu.dma_semaphore, #tpu.memory_space<semaphore_mem>>) src(%dma_wait3A_537 : memref<256xi32, #tpu.memory_space<hbm>>) dst(%arg5 : memref<256xi32, #tpu.memory_space<vmem>>)
      tpu.yield
    }) : () -> ()
    %add3A_11 = arith.constant 256 : i32
    %add3A_12 = arith.addi %mul3A_4, %add3A_11 : i32
    %dma_start3A = tpu.memref_slice %arg2[%add3A_12] : memref<819200xi32, #tpu.memory_space<hbm>> -> memref<256xi32, #tpu.memory_space<hbm>>
    %dma_start3A_13 = tpu.memref_slice %arg2[%add3A_12] : memref<819200xi32, #tpu.memory_space<hbm>> -> memref<256xi32, #tpu.memory_space<hbm>>
    tpu.enqueue_dma source(%dma_start3A_13 : memref<256xi32, #tpu.memory_space<hbm>>) target(%arg6 : memref<256xi32, #tpu.memory_space<vmem>>) target_semaphore(%arg12 : memref<!tpu.dma_semaphore, #tpu.memory_space<semaphore_mem>>)
    %dma_start3A_14 = arith.constant 0 : i32
    %dma_start3A_15 = arith.constant 0 : i32
    %dma_start3A_16 = tpu.memref_slice %arg3[%dma_start3A_14, %dma_start3A_15] : memref<1016960x64xf32, #tpu.memory_space<hbm>> -> memref<1016960x64xf32, #tpu.memory_space<hbm>>
    tpu.enqueue_indirect_dma source(%dma_start3A_16 : memref<1016960x64xf32, #tpu.memory_space<hbm>>) target(%arg7 : memref<256x64xf32, #tpu.memory_space<vmem>>) offsets(%arg5 : memref<256xi32, #tpu.memory_space<vmem>>) semaphore(%arg13 : memref<!tpu.dma_semaphore, #tpu.memory_space<semaphore_mem>>)
    %dma_wait3A = arith.constant 0 : i32
    %dma_wait3A_17 = arith.constant 0 : i32
    %dma_wait3A_18 = arith.constant 0 : i32
    %dma_wait3A_19 = arith.constant 0 : i32
    %dma_wait3A_20 = tpu.memref_slice %arg4[%dma_wait3A, %dma_wait3A_17, %dma_wait3A_18, %dma_wait3A_19] : memref<200x8x32x1024xf32, #tpu.memory_space<hbm>> -> memref<1x1x16x1024xf32, #tpu.memory_space<hbm>>
    %dma_wait3A_21 = tpu.memref_squeeze %dma_wait3A_20 : memref<1x1x16x1024xf32, #tpu.memory_space<hbm>> -> memref<16x1024xf32, #tpu.memory_space<hbm>>
    %dma_wait3A_22 = arith.constant 0 : i32
    %dma_wait3A_23 = arith.constant 0 : i32
    %dma_wait3A_24 = tpu.memref_slice %arg4[%dma_wait3A, %dma_wait3A_17, %dma_wait3A_22, %dma_wait3A_23] : memref<200x8x32x1024xf32, #tpu.memory_space<hbm>> -> memref<1x1x16x1024xf32, #tpu.memory_space<hbm>>
    %dma_wait3A_25 = tpu.memref_squeeze %dma_wait3A_24 : memref<1x1x16x1024xf32, #tpu.memory_space<hbm>> -> memref<16x1024xf32, #tpu.memory_space<hbm>>
    tpu.wait_dma2 semaphore(%arg13 : memref<!tpu.dma_semaphore, #tpu.memory_space<semaphore_mem>>) src(%dma_wait3A_25 : memref<16x1024xf32, #tpu.memory_space<hbm>>) dst(%arg7 : memref<256x64xf32, #tpu.memory_space<vmem>>)
    %dma_wait3A_26 = tpu.memref_slice %arg2[%mul3A_4] : memref<819200xi32, #tpu.memory_space<hbm>> -> memref<256xi32, #tpu.memory_space<hbm>>
    %dma_wait3A_27 = tpu.memref_slice %arg2[%mul3A_4] : memref<819200xi32, #tpu.memory_space<hbm>> -> memref<256xi32, #tpu.memory_space<hbm>>
    tpu.wait_dma2 semaphore(%arg12 : memref<!tpu.dma_semaphore, #tpu.memory_space<semaphore_mem>>) src(%dma_wait3A_27 : memref<256xi32, #tpu.memory_space<hbm>>) dst(%arg6 : memref<256xi32, #tpu.memory_space<vmem>>)
    %dma_start3A_28 = arith.constant 0 : i32
    %dma_start3A_29 = arith.constant 0 : i32
    %dma_start3A_30 = tpu.memref_slice %arg3[%dma_start3A_28, %dma_start3A_29] : memref<1016960x64xf32, #tpu.memory_space<hbm>> -> memref<1016960x64xf32, #tpu.memory_space<hbm>>
    tpu.enqueue_indirect_dma source(%dma_start3A_30 : memref<1016960x64xf32, #tpu.memory_space<hbm>>) target(%arg8 : memref<256x64xf32, #tpu.memory_space<vmem>>) offsets(%arg6 : memref<256xi32, #tpu.memory_space<vmem>>) semaphore(%arg14 : memref<!tpu.dma_semaphore, #tpu.memory_space<semaphore_mem>>)
    %add3A_31 = arith.constant 512 : i32
    %add3A_32 = arith.addi %mul3A_4, %add3A_31 : i32
    %dma_start3A_33 = tpu.memref_slice %arg2[%add3A_32] : memref<819200xi32, #tpu.memory_space<hbm>> -> memref<256xi32, #tpu.memory_space<hbm>>
    %dma_start3A_34 = tpu.memref_slice %arg2[%add3A_32] : memref<819200xi32, #tpu.memory_space<hbm>> -> memref<256xi32, #tpu.memory_space<hbm>>
    tpu.enqueue_dma source(%dma_start3A_34 : memref<256xi32, #tpu.memory_space<hbm>>) target(%arg5 : memref<256xi32, #tpu.memory_space<vmem>>) target_semaphore(%arg11 : memref<!tpu.dma_semaphore, #tpu.memory_space<semaphore_mem>>)
    %parallel_loop3A = arith.constant 0 : i32
    %parallel_loop3A_35 = arith.constant 1024 : i32
    %parallel_loop3A_36 = arith.constant 1 : i32
    scf.for %parallel_loop3A_534 = %parallel_loop3A to %parallel_loop3A_35 step %parallel_loop3A_36  : i32 {
      %parallel_loop3A_535 = arith.constant 15 : i32
      %parallel_loop3A_536 = arith.andi %parallel_loop3A_534, %parallel_loop3A_535 : i32
      %parallel_loop3A_537 = arith.constant 4 : i32
      %parallel_loop3A_538 = arith.shrsi %parallel_loop3A_534, %parallel_loop3A_537 : i32
      %parallel_loop3A_539 = arith.constant 15 : i32
      %parallel_loop3A_540 = arith.andi %parallel_loop3A_538, %parallel_loop3A_539 : i32
      %parallel_loop3A_541 = arith.constant 8 : i32
      %parallel_loop3A_542 = arith.shrsi %parallel_loop3A_534, %parallel_loop3A_541 : i32
      %parallel_loop3A_543 = vector.broadcast %parallel_loop3A_536 : i32 to vector<16xi32>
      %parallel_loop3A_544 = arith.addi %iota3A, %parallel_loop3A_543 : vector<16xi32>
      %parallel_loop3A_545 = arith.constant 15 : i32
      %parallel_loop3A_546 = vector.broadcast %parallel_loop3A_545 : i32 to vector<16xi32>
      %parallel_loop3A_547 = arith.andi %parallel_loop3A_544, %parallel_loop3A_546 : vector<16xi32>
      %parallel_loop3A_548 = arith.constant 16 : i32
      %parallel_loop3A_549 = arith.muli %parallel_loop3A_540, %parallel_loop3A_548 : i32
      %parallel_loop3A_550 = vector.broadcast %parallel_loop3A_549 : i32 to vector<16xi32>
      %parallel_loop3A_551 = arith.addi %parallel_loop3A_550, %parallel_loop3A_547 : vector<16xi32>
      %parallel_loop3A_552 = arith.constant 16 : i32
      %parallel_loop3A_553 = arith.muli %parallel_loop3A_542, %parallel_loop3A_552 : i32
      %parallel_loop3A_554 = vector.broadcast %parallel_loop3A_553 : i32 to vector<16xi32>
      %parallel_loop3A_555 = arith.addi %parallel_loop3A_554, %iota3A : vector<16xi32>
      %parallel_loop3A_556 = tpu.vector_load_idx %arg7[%parallel_loop3A_551, %parallel_loop3A_555] : memref<256x64xf32, #tpu.memory_space<vmem>>[vector<16xi32>, vector<16xi32>], vector<16xf32>,
      %parallel_loop3A_557 = arith.constant 3 : i32
      %parallel_loop3A_558 = arith.shrsi %parallel_loop3A_540, %parallel_loop3A_557 : i32
      %parallel_loop3A_559 = arith.constant 8 : i32
      %parallel_loop3A_560 = arith.muli %parallel_loop3A_558, %parallel_loop3A_559 : i32
      %parallel_loop3A_561 = arith.constant 2 : i32
      %parallel_loop3A_562 = arith.muli %parallel_loop3A_542, %parallel_loop3A_561 : i32
      %parallel_loop3A_563 = arith.addi %parallel_loop3A_560, %parallel_loop3A_562 : i32
      %parallel_loop3A_564 = vector.broadcast %parallel_loop3A_563 : i32 to vector<16xi32>
      %parallel_loop3A_565 = arith.addi %parallel_loop3A_564, %shift_right_arithmetic3A_10 : vector<16xi32>
      %parallel_loop3A_566 = arith.constant 7 : i32
      %parallel_loop3A_567 = arith.andi %parallel_loop3A_540, %parallel_loop3A_566 : i32
      %parallel_loop3A_568 = arith.constant 16 : i32
      %parallel_loop3A_569 = arith.muli %parallel_loop3A_567, %parallel_loop3A_568 : i32
      %parallel_loop3A_570 = vector.broadcast %parallel_loop3A_569 : i32 to vector<16xi32>
      %parallel_loop3A_571 = arith.addi %parallel_loop3A_570, %parallel_loop3A_547 : vector<16xi32>
      %parallel_loop3A_572 = arith.addi %shift_left3A_8, %parallel_loop3A_571 : vector<16xi32>
      tpu.vector_store_idx %arg9[%parallel_loop3A_565, %parallel_loop3A_572], %parallel_loop3A_556 : memref<16x1024xf32, #tpu.memory_space<vmem>>[vector<16xi32>, vector<16xi32>], vector<16xf32>,
    } {sc.loop_unroll_factor = 4 : i64, sc.parallel_access}
    %mul3A_37 = arith.constant 100 : i32
    %mul3A_38 = arith.muli %add3A, %mul3A_37 : i32
    %add3A_39 = arith.constant 0 : i32
    %add3A_40 = arith.addi %mul3A_38, %add3A_39 : i32
    %jit3A = arith.constant 16 : i32
    %div3A = arith.divsi %add3A_40, %jit3A : i32
    %sign3A = arith.constant 0 : i32
    %sign3A_41 = arith.cmpi sgt, %add3A_40, %sign3A : i32
    %sign3A_42 = arith.extui %sign3A_41 : i1 to i32
    %sign3A_43 = arith.constant 0 : i32
    %sign3A_44 = arith.cmpi slt, %add3A_40, %sign3A_43 : i32
    %sign3A_45 = arith.extui %sign3A_44 : i1 to i32
    %sign3A_46 = arith.subi %sign3A_42, %sign3A_45 : i32
    %sign3A_47 = arith.constant 0 : i32
    %sign3A_48 = arith.cmpi sgt, %jit3A, %sign3A_47 : i32
    %sign3A_49 = arith.extui %sign3A_48 : i1 to i32
    %sign3A_50 = arith.constant 0 : i32
    %sign3A_51 = arith.cmpi slt, %jit3A, %sign3A_50 : i32
    %sign3A_52 = arith.extui %sign3A_51 : i1 to i32
    %sign3A_53 = arith.subi %sign3A_49, %sign3A_52 : i32
    %ne3A = arith.cmpi ne, %sign3A_46, %sign3A_53 : i32
    %rem3A = arith.remsi %add3A_40, %jit3A : i32
    %ne3A_54 = arith.constant 0 : i32
    %ne3A_55 = arith.cmpi ne, %rem3A, %ne3A_54 : i32
    %and3A_56 = arith.andi %ne3A, %ne3A_55 : i1
    %sub3A = arith.constant 1 : i32
    %sub3A_57 = arith.subi %div3A, %sub3A : i32
    %select_n3A = arith.select %and3A_56, %sub3A_57, %div3A : i32
    %jit3A_58 = arith.constant 16 : i32
    %eq3A = arith.constant 0 : i32
    %eq3A_59 = arith.cmpi eq, %jit3A_58, %eq3A : i32
    %jit3A_60 = arith.constant 1 : i32
    %select_n3A_61 = arith.select %eq3A_59, %jit3A_60, %jit3A_58 : i32
    %rem3A_62 = arith.remsi %add3A_40, %select_n3A_61 : i32
    %ne3A_63 = arith.constant 0 : i32
    %ne3A_64 = arith.cmpi ne, %rem3A_62, %ne3A_63 : i32
    %lt3A = arith.constant 0 : i32
    %lt3A_65 = arith.cmpi slt, %rem3A_62, %lt3A : i32
    %lt3A_66 = arith.constant 0 : i32
    %lt3A_67 = arith.cmpi slt, %select_n3A_61, %lt3A_66 : i32
    %ne3A_68 = arith.xori %lt3A_65, %lt3A_67 : i1
    %and3A_69 = arith.andi %ne3A_68, %ne3A_64 : i1
    %add3A_70 = arith.addi %rem3A_62, %select_n3A_61 : i32
    %select_n3A_71 = arith.select %and3A_69, %add3A_70, %rem3A_62 : i32
    %mul3A_72 = arith.constant 2 : i32
    %mul3A_73 = arith.muli %mul3A_72, %select_n3A_71 : i32
    %add3A_74 = arith.constant 0 : i32
    %add3A_75 = arith.addi %mul3A_73, %add3A_74 : i32
    %dma_start3A_76 = arith.constant 0 : i32
    %dma_start3A_77 = arith.constant 0 : i32
    %dma_start3A_78 = tpu.memref_slice %arg9[%dma_start3A_76, %dma_start3A_77] : memref<16x1024xf32, #tpu.memory_space<vmem>> -> memref<8x1024xf32, #tpu.memory_space<vmem>>
    %dma_start3A_79 = arith.constant 0 : i32
    %dma_start3A_80 = arith.constant 0 : i32
    %dma_start3A_81 = tpu.memref_slice %arg4[%select_n3A, %dma_start3A_79, %add3A_75, %dma_start3A_80] : memref<200x8x32x1024xf32, #tpu.memory_space<hbm>> -> memref<1x8x1x1024xf32, #tpu.memory_space<hbm>>
    %dma_start3A_82 = tpu.memref_squeeze %dma_start3A_81 : memref<1x8x1x1024xf32, #tpu.memory_space<hbm>> -> memref<8x1024xf32, #tpu.memory_space<hbm>>
    %dma_start3A_83 = arith.constant 0 : i32
    %dma_start3A_84 = arith.constant 0 : i32
    %dma_start3A_85 = tpu.memref_slice %arg4[%select_n3A, %dma_start3A_83, %add3A_75, %dma_start3A_84] : memref<200x8x32x1024xf32, #tpu.memory_space<hbm>> -> memref<1x8x1x1024xf32, #tpu.memory_space<hbm>>
    %dma_start3A_86 = tpu.memref_squeeze %dma_start3A_85 : memref<1x8x1x1024xf32, #tpu.memory_space<hbm>> -> memref<8x1024xf32, #tpu.memory_space<hbm>>
    %dma_start3A_87 = arith.constant 0 : i32
    %dma_start3A_88 = arith.constant 0 : i32
    %dma_start3A_89 = tpu.memref_slice %arg9[%dma_start3A_87, %dma_start3A_88] : memref<16x1024xf32, #tpu.memory_space<vmem>> -> memref<8x1024xf32, #tpu.memory_space<vmem>>
    tpu.enqueue_dma source(%dma_start3A_89 : memref<8x1024xf32, #tpu.memory_space<vmem>>) target(%dma_start3A_86 : memref<8x1024xf32, #tpu.memory_space<hbm>>) target_semaphore(%arg15 : memref<!tpu.dma_semaphore, #tpu.memory_space<semaphore_mem>>)
    %mul3A_90 = arith.constant 2 : i32
    %mul3A_91 = arith.muli %mul3A_90, %select_n3A_71 : i32
    %add3A_92 = arith.constant 1 : i32
    %add3A_93 = arith.addi %mul3A_91, %add3A_92 : i32
    %dma_start3A_94 = arith.constant 8 : i32
    %dma_start3A_95 = arith.constant 0 : i32
    %dma_start3A_96 = tpu.memref_slice %arg9[%dma_start3A_94, %dma_start3A_95] : memref<16x1024xf32, #tpu.memory_space<vmem>> -> memref<8x1024xf32, #tpu.memory_space<vmem>>
    %dma_start3A_97 = arith.constant 0 : i32
    %dma_start3A_98 = arith.constant 0 : i32
    %dma_start3A_99 = tpu.memref_slice %arg4[%select_n3A, %dma_start3A_97, %add3A_93, %dma_start3A_98] : memref<200x8x32x1024xf32, #tpu.memory_space<hbm>> -> memref<1x8x1x1024xf32, #tpu.memory_space<hbm>>
    %dma_start3A_100 = tpu.memref_squeeze %dma_start3A_99 : memref<1x8x1x1024xf32, #tpu.memory_space<hbm>> -> memref<8x1024xf32, #tpu.memory_space<hbm>>
    %dma_start3A_101 = arith.constant 0 : i32
    %dma_start3A_102 = arith.constant 0 : i32
    %dma_start3A_103 = tpu.memref_slice %arg4[%select_n3A, %dma_start3A_101, %add3A_93, %dma_start3A_102] : memref<200x8x32x1024xf32, #tpu.memory_space<hbm>> -> memref<1x8x1x1024xf32, #tpu.memory_space<hbm>>
    %dma_start3A_104 = tpu.memref_squeeze %dma_start3A_103 : memref<1x8x1x1024xf32, #tpu.memory_space<hbm>> -> memref<8x1024xf32, #tpu.memory_space<hbm>>
    %dma_start3A_105 = arith.constant 8 : i32
    %dma_start3A_106 = arith.constant 0 : i32
    %dma_start3A_107 = tpu.memref_slice %arg9[%dma_start3A_105, %dma_start3A_106] : memref<16x1024xf32, #tpu.memory_space<vmem>> -> memref<8x1024xf32, #tpu.memory_space<vmem>>
    tpu.enqueue_dma source(%dma_start3A_107 : memref<8x1024xf32, #tpu.memory_space<vmem>>) target(%dma_start3A_104 : memref<8x1024xf32, #tpu.memory_space<hbm>>) target_semaphore(%arg15 : memref<!tpu.dma_semaphore, #tpu.memory_space<semaphore_mem>>)
    %dma_wait3A_108 = arith.constant 0 : i32
    %dma_wait3A_109 = arith.constant 0 : i32
    %dma_wait3A_110 = arith.constant 0 : i32
    %dma_wait3A_111 = arith.constant 0 : i32
    %dma_wait3A_112 = tpu.memref_slice %arg4[%dma_wait3A_108, %dma_wait3A_109, %dma_wait3A_110, %dma_wait3A_111] : memref<200x8x32x1024xf32, #tpu.memory_space<hbm>> -> memref<1x1x16x1024xf32, #tpu.memory_space<hbm>>
    %dma_wait3A_113 = tpu.memref_squeeze %dma_wait3A_112 : memref<1x1x16x1024xf32, #tpu.memory_space<hbm>> -> memref<16x1024xf32, #tpu.memory_space<hbm>>
    %dma_wait3A_114 = arith.constant 0 : i32
    %dma_wait3A_115 = arith.constant 0 : i32
    %dma_wait3A_116 = tpu.memref_slice %arg4[%dma_wait3A_108, %dma_wait3A_109, %dma_wait3A_114, %dma_wait3A_115] : memref<200x8x32x1024xf32, #tpu.memory_space<hbm>> -> memref<1x1x16x1024xf32, #tpu.memory_space<hbm>>
    %dma_wait3A_117 = tpu.memref_squeeze %dma_wait3A_116 : memref<1x1x16x1024xf32, #tpu.memory_space<hbm>> -> memref<16x1024xf32, #tpu.memory_space<hbm>>
    tpu.wait_dma2 semaphore(%arg14 : memref<!tpu.dma_semaphore, #tpu.memory_space<semaphore_mem>>) src(%dma_wait3A_117 : memref<16x1024xf32, #tpu.memory_space<hbm>>) dst(%arg8 : memref<256x64xf32, #tpu.memory_space<vmem>>)
    %dma_wait3A_118 = tpu.memref_slice %arg2[%mul3A_4] : memref<819200xi32, #tpu.memory_space<hbm>> -> memref<256xi32, #tpu.memory_space<hbm>>
    %dma_wait3A_119 = tpu.memref_slice %arg2[%mul3A_4] : memref<819200xi32, #tpu.memory_space<hbm>> -> memref<256xi32, #tpu.memory_space<hbm>>
    tpu.wait_dma2 semaphore(%arg11 : memref<!tpu.dma_semaphore, #tpu.memory_space<semaphore_mem>>) src(%dma_wait3A_119 : memref<256xi32, #tpu.memory_space<hbm>>) dst(%arg5 : memref<256xi32, #tpu.memory_space<vmem>>)
    %dma_start3A_120 = arith.constant 0 : i32
    %dma_start3A_121 = arith.constant 0 : i32
    %dma_start3A_122 = tpu.memref_slice %arg3[%dma_start3A_120, %dma_start3A_121] : memref<1016960x64xf32, #tpu.memory_space<hbm>> -> memref<1016960x64xf32, #tpu.memory_space<hbm>>
    tpu.enqueue_indirect_dma source(%dma_start3A_122 : memref<1016960x64xf32, #tpu.memory_space<hbm>>) target(%arg7 : memref<256x64xf32, #tpu.memory_space<vmem>>) offsets(%arg5 : memref<256xi32, #tpu.memory_space<vmem>>) semaphore(%arg13 : memref<!tpu.dma_semaphore, #tpu.memory_space<semaphore_mem>>)
    %add3A_123 = arith.constant 768 : i32
    %add3A_124 = arith.addi %mul3A_4, %add3A_123 : i32
    %dma_start3A_125 = tpu.memref_slice %arg2[%add3A_124] : memref<819200xi32, #tpu.memory_space<hbm>> -> memref<256xi32, #tpu.memory_space<hbm>>
    %dma_start3A_126 = tpu.memref_slice %arg2[%add3A_124] : memref<819200xi32, #tpu.memory_space<hbm>> -> memref<256xi32, #tpu.memory_space<hbm>>
    tpu.enqueue_dma source(%dma_start3A_126 : memref<256xi32, #tpu.memory_space<hbm>>) target(%arg6 : memref<256xi32, #tpu.memory_space<vmem>>) target_semaphore(%arg12 : memref<!tpu.dma_semaphore, #tpu.memory_space<semaphore_mem>>)
    %parallel_loop3A_127 = arith.constant 0 : i32
    %parallel_loop3A_128 = arith.constant 1024 : i32
    %parallel_loop3A_129 = arith.constant 1 : i32
    scf.for %parallel_loop3A_534 = %parallel_loop3A_127 to %parallel_loop3A_128 step %parallel_loop3A_129  : i32 {
      %parallel_loop3A_535 = arith.constant 15 : i32
      %parallel_loop3A_536 = arith.andi %parallel_loop3A_534, %parallel_loop3A_535 : i32
      %parallel_loop3A_537 = arith.constant 4 : i32
      %parallel_loop3A_538 = arith.shrsi %parallel_loop3A_534, %parallel_loop3A_537 : i32
      %parallel_loop3A_539 = arith.constant 15 : i32
      %parallel_loop3A_540 = arith.andi %parallel_loop3A_538, %parallel_loop3A_539 : i32
      %parallel_loop3A_541 = arith.constant 8 : i32
      %parallel_loop3A_542 = arith.shrsi %parallel_loop3A_534, %parallel_loop3A_541 : i32
      %parallel_loop3A_543 = vector.broadcast %parallel_loop3A_536 : i32 to vector<16xi32>
      %parallel_loop3A_544 = arith.addi %iota3A, %parallel_loop3A_543 : vector<16xi32>
      %parallel_loop3A_545 = arith.constant 15 : i32
      %parallel_loop3A_546 = vector.broadcast %parallel_loop3A_545 : i32 to vector<16xi32>
      %parallel_loop3A_547 = arith.andi %parallel_loop3A_544, %parallel_loop3A_546 : vector<16xi32>
      %parallel_loop3A_548 = arith.constant 16 : i32
      %parallel_loop3A_549 = arith.muli %parallel_loop3A_540, %parallel_loop3A_548 : i32
      %parallel_loop3A_550 = vector.broadcast %parallel_loop3A_549 : i32 to vector<16xi32>
      %parallel_loop3A_551 = arith.addi %parallel_loop3A_550, %parallel_loop3A_547 : vector<16xi32>
      %parallel_loop3A_552 = arith.constant 16 : i32
      %parallel_loop3A_553 = arith.muli %parallel_loop3A_542, %parallel_loop3A_552 : i32
      %parallel_loop3A_554 = vector.broadcast %parallel_loop3A_553 : i32 to vector<16xi32>
      %parallel_loop3A_555 = arith.addi %parallel_loop3A_554, %iota3A : vector<16xi32>
      %parallel_loop3A_556 = tpu.vector_load_idx %arg8[%parallel_loop3A_551, %parallel_loop3A_555] : memref<256x64xf32, #tpu.memory_space<vmem>>[vector<16xi32>, vector<16xi32>], vector<16xf32>,
      %parallel_loop3A_557 = arith.constant 3 : i32
      %parallel_loop3A_558 = arith.shrsi %parallel_loop3A_540, %parallel_loop3A_557 : i32
      %parallel_loop3A_559 = arith.constant 8 : i32
      %parallel_loop3A_560 = arith.muli %parallel_loop3A_558, %parallel_loop3A_559 : i32
      %parallel_loop3A_561 = arith.constant 2 : i32
      %parallel_loop3A_562 = arith.muli %parallel_loop3A_542, %parallel_loop3A_561 : i32
      %parallel_loop3A_563 = arith.addi %parallel_loop3A_560, %parallel_loop3A_562 : i32
      %parallel_loop3A_564 = vector.broadcast %parallel_loop3A_563 : i32 to vector<16xi32>
      %parallel_loop3A_565 = arith.addi %parallel_loop3A_564, %shift_right_arithmetic3A_10 : vector<16xi32>
      %parallel_loop3A_566 = arith.constant 7 : i32
      %parallel_loop3A_567 = arith.andi %parallel_loop3A_540, %parallel_loop3A_566 : i32
      %parallel_loop3A_568 = arith.constant 16 : i32
      %parallel_loop3A_569 = arith.muli %parallel_loop3A_567, %parallel_loop3A_568 : i32
      %parallel_loop3A_570 = vector.broadcast %parallel_loop3A_569 : i32 to vector<16xi32>
      %parallel_loop3A_571 = arith.addi %parallel_loop3A_570, %parallel_loop3A_547 : vector<16xi32>
      %parallel_loop3A_572 = arith.addi %shift_left3A_8, %parallel_loop3A_571 : vector<16xi32>
      tpu.vector_store_idx %arg10[%parallel_loop3A_565, %parallel_loop3A_572], %parallel_loop3A_556 : memref<16x1024xf32, #tpu.memory_space<vmem>>[vector<16xi32>, vector<16xi32>], vector<16xf32>,
    } {sc.loop_unroll_factor = 4 : i64, sc.parallel_access}
    %mul3A_130 = arith.constant 100 : i32
    %mul3A_131 = arith.muli %add3A, %mul3A_130 : i32
    %add3A_132 = arith.constant 1 : i32
    %add3A_133 = arith.addi %mul3A_131, %add3A_132 : i32
    %jit3A_134 = arith.constant 16 : i32
    %div3A_135 = arith.divsi %add3A_133, %jit3A_134 : i32
    %sign3A_136 = arith.constant 0 : i32
    %sign3A_137 = arith.cmpi sgt, %add3A_133, %sign3A_136 : i32
    %sign3A_138 = arith.extui %sign3A_137 : i1 to i32
    %sign3A_139 = arith.constant 0 : i32
    %sign3A_140 = arith.cmpi slt, %add3A_133, %sign3A_139 : i32
    %sign3A_141 = arith.extui %sign3A_140 : i1 to i32
    %sign3A_142 = arith.subi %sign3A_138, %sign3A_141 : i32
    %sign3A_143 = arith.constant 0 : i32
    %sign3A_144 = arith.cmpi sgt, %jit3A_134, %sign3A_143 : i32
    %sign3A_145 = arith.extui %sign3A_144 : i1 to i32
    %sign3A_146 = arith.constant 0 : i32
    %sign3A_147 = arith.cmpi slt, %jit3A_134, %sign3A_146 : i32
    %sign3A_148 = arith.extui %sign3A_147 : i1 to i32
    %sign3A_149 = arith.subi %sign3A_145, %sign3A_148 : i32
    %ne3A_150 = arith.cmpi ne, %sign3A_142, %sign3A_149 : i32
    %rem3A_151 = arith.remsi %add3A_133, %jit3A_134 : i32
    %ne3A_152 = arith.constant 0 : i32
    %ne3A_153 = arith.cmpi ne, %rem3A_151, %ne3A_152 : i32
    %and3A_154 = arith.andi %ne3A_150, %ne3A_153 : i1
    %sub3A_155 = arith.constant 1 : i32
    %sub3A_156 = arith.subi %div3A_135, %sub3A_155 : i32
    %select_n3A_157 = arith.select %and3A_154, %sub3A_156, %div3A_135 : i32
    %jit3A_158 = arith.constant 16 : i32
    %eq3A_159 = arith.constant 0 : i32
    %eq3A_160 = arith.cmpi eq, %jit3A_158, %eq3A_159 : i32
    %jit3A_161 = arith.constant 1 : i32
    %select_n3A_162 = arith.select %eq3A_160, %jit3A_161, %jit3A_158 : i32
    %rem3A_163 = arith.remsi %add3A_133, %select_n3A_162 : i32
    %ne3A_164 = arith.constant 0 : i32
    %ne3A_165 = arith.cmpi ne, %rem3A_163, %ne3A_164 : i32
    %lt3A_166 = arith.constant 0 : i32
    %lt3A_167 = arith.cmpi slt, %rem3A_163, %lt3A_166 : i32
    %lt3A_168 = arith.constant 0 : i32
    %lt3A_169 = arith.cmpi slt, %select_n3A_162, %lt3A_168 : i32
    %ne3A_170 = arith.xori %lt3A_167, %lt3A_169 : i1
    %and3A_171 = arith.andi %ne3A_170, %ne3A_165 : i1
    %add3A_172 = arith.addi %rem3A_163, %select_n3A_162 : i32
    %select_n3A_173 = arith.select %and3A_171, %add3A_172, %rem3A_163 : i32
    %mul3A_174 = arith.constant 2 : i32
    %mul3A_175 = arith.muli %mul3A_174, %select_n3A_173 : i32
    %add3A_176 = arith.constant 0 : i32
    %add3A_177 = arith.addi %mul3A_175, %add3A_176 : i32
    %dma_start3A_178 = arith.constant 0 : i32
    %dma_start3A_179 = arith.constant 0 : i32
    %dma_start3A_180 = tpu.memref_slice %arg10[%dma_start3A_178, %dma_start3A_179] : memref<16x1024xf32, #tpu.memory_space<vmem>> -> memref<8x1024xf32, #tpu.memory_space<vmem>>
    %dma_start3A_181 = arith.constant 0 : i32
    %dma_start3A_182 = arith.constant 0 : i32
    %dma_start3A_183 = tpu.memref_slice %arg4[%select_n3A_157, %dma_start3A_181, %add3A_177, %dma_start3A_182] : memref<200x8x32x1024xf32, #tpu.memory_space<hbm>> -> memref<1x8x1x1024xf32, #tpu.memory_space<hbm>>
    %dma_start3A_184 = tpu.memref_squeeze %dma_start3A_183 : memref<1x8x1x1024xf32, #tpu.memory_space<hbm>> -> memref<8x1024xf32, #tpu.memory_space<hbm>>
    %dma_start3A_185 = arith.constant 0 : i32
    %dma_start3A_186 = arith.constant 0 : i32
    %dma_start3A_187 = tpu.memref_slice %arg4[%select_n3A_157, %dma_start3A_185, %add3A_177, %dma_start3A_186] : memref<200x8x32x1024xf32, #tpu.memory_space<hbm>> -> memref<1x8x1x1024xf32, #tpu.memory_space<hbm>>
    %dma_start3A_188 = tpu.memref_squeeze %dma_start3A_187 : memref<1x8x1x1024xf32, #tpu.memory_space<hbm>> -> memref<8x1024xf32, #tpu.memory_space<hbm>>
    %dma_start3A_189 = arith.constant 0 : i32
    %dma_start3A_190 = arith.constant 0 : i32
    %dma_start3A_191 = tpu.memref_slice %arg10[%dma_start3A_189, %dma_start3A_190] : memref<16x1024xf32, #tpu.memory_space<vmem>> -> memref<8x1024xf32, #tpu.memory_space<vmem>>
    tpu.enqueue_dma source(%dma_start3A_191 : memref<8x1024xf32, #tpu.memory_space<vmem>>) target(%dma_start3A_188 : memref<8x1024xf32, #tpu.memory_space<hbm>>) target_semaphore(%arg16 : memref<!tpu.dma_semaphore, #tpu.memory_space<semaphore_mem>>)
    %mul3A_192 = arith.constant 2 : i32
    %mul3A_193 = arith.muli %mul3A_192, %select_n3A_173 : i32
    %add3A_194 = arith.constant 1 : i32
    %add3A_195 = arith.addi %mul3A_193, %add3A_194 : i32
    %dma_start3A_196 = arith.constant 8 : i32
    %dma_start3A_197 = arith.constant 0 : i32
    %dma_start3A_198 = tpu.memref_slice %arg10[%dma_start3A_196, %dma_start3A_197] : memref<16x1024xf32, #tpu.memory_space<vmem>> -> memref<8x1024xf32, #tpu.memory_space<vmem>>
    %dma_start3A_199 = arith.constant 0 : i32
    %dma_start3A_200 = arith.constant 0 : i32
    %dma_start3A_201 = tpu.memref_slice %arg4[%select_n3A_157, %dma_start3A_199, %add3A_195, %dma_start3A_200] : memref<200x8x32x1024xf32, #tpu.memory_space<hbm>> -> memref<1x8x1x1024xf32, #tpu.memory_space<hbm>>
    %dma_start3A_202 = tpu.memref_squeeze %dma_start3A_201 : memref<1x8x1x1024xf32, #tpu.memory_space<hbm>> -> memref<8x1024xf32, #tpu.memory_space<hbm>>
    %dma_start3A_203 = arith.constant 0 : i32
    %dma_start3A_204 = arith.constant 0 : i32
    %dma_start3A_205 = tpu.memref_slice %arg4[%select_n3A_157, %dma_start3A_203, %add3A_195, %dma_start3A_204] : memref<200x8x32x1024xf32, #tpu.memory_space<hbm>> -> memref<1x8x1x1024xf32, #tpu.memory_space<hbm>>
    %dma_start3A_206 = tpu.memref_squeeze %dma_start3A_205 : memref<1x8x1x1024xf32, #tpu.memory_space<hbm>> -> memref<8x1024xf32, #tpu.memory_space<hbm>>
    %dma_start3A_207 = arith.constant 8 : i32
    %dma_start3A_208 = arith.constant 0 : i32
    %dma_start3A_209 = tpu.memref_slice %arg10[%dma_start3A_207, %dma_start3A_208] : memref<16x1024xf32, #tpu.memory_space<vmem>> -> memref<8x1024xf32, #tpu.memory_space<vmem>>
    tpu.enqueue_dma source(%dma_start3A_209 : memref<8x1024xf32, #tpu.memory_space<vmem>>) target(%dma_start3A_206 : memref<8x1024xf32, #tpu.memory_space<hbm>>) target_semaphore(%arg16 : memref<!tpu.dma_semaphore, #tpu.memory_space<semaphore_mem>>)
    %scan3A = arith.constant 0 : i32
    %scan3A_210 = arith.constant 1 : i32
    %scan3A_211 = arith.constant 48 : i32
    %scan3A_212 = arith.addi %scan3A_210, %scan3A_211 : i32
    %scan3A_213 = arith.constant 1 : i32
    scf.for %scan3A_534 = %scan3A_210 to %scan3A_212 step %scan3A_213  : i32 {
      %mul3A_535 = arith.constant 2 : i32
      %mul3A_536 = arith.muli %scan3A_534, %mul3A_535 : i32
      %dma_wait3A_537 = arith.constant 0 : i32
      %dma_wait3A_538 = arith.constant 0 : i32
      %dma_wait3A_539 = arith.constant 0 : i32
      %dma_wait3A_540 = arith.constant 0 : i32
      %dma_wait3A_541 = tpu.memref_slice %arg4[%dma_wait3A_537, %dma_wait3A_538, %dma_wait3A_539, %dma_wait3A_540] : memref<200x8x32x1024xf32, #tpu.memory_space<hbm>> -> memref<1x1x16x1024xf32, #tpu.memory_space<hbm>>
      %dma_wait3A_542 = tpu.memref_squeeze %dma_wait3A_541 : memref<1x1x16x1024xf32, #tpu.memory_space<hbm>> -> memref<16x1024xf32, #tpu.memory_space<hbm>>
      %dma_wait3A_543 = arith.constant 0 : i32
      %dma_wait3A_544 = arith.constant 0 : i32
      %dma_wait3A_545 = tpu.memref_slice %arg4[%dma_wait3A_537, %dma_wait3A_538, %dma_wait3A_543, %dma_wait3A_544] : memref<200x8x32x1024xf32, #tpu.memory_space<hbm>> -> memref<1x1x16x1024xf32, #tpu.memory_space<hbm>>
      %dma_wait3A_546 = tpu.memref_squeeze %dma_wait3A_545 : memref<1x1x16x1024xf32, #tpu.memory_space<hbm>> -> memref<16x1024xf32, #tpu.memory_space<hbm>>
      tpu.wait_dma2 semaphore(%arg13 : memref<!tpu.dma_semaphore, #tpu.memory_space<semaphore_mem>>) src(%dma_wait3A_546 : memref<16x1024xf32, #tpu.memory_space<hbm>>) dst(%arg7 : memref<256x64xf32, #tpu.memory_space<vmem>>)
      %dma_wait3A_547 = tpu.memref_slice %arg2[%mul3A_4] : memref<819200xi32, #tpu.memory_space<hbm>> -> memref<256xi32, #tpu.memory_space<hbm>>
      %dma_wait3A_548 = tpu.memref_slice %arg2[%mul3A_4] : memref<819200xi32, #tpu.memory_space<hbm>> -> memref<256xi32, #tpu.memory_space<hbm>>
      tpu.wait_dma2 semaphore(%arg12 : memref<!tpu.dma_semaphore, #tpu.memory_space<semaphore_mem>>) src(%dma_wait3A_548 : memref<256xi32, #tpu.memory_space<hbm>>) dst(%arg6 : memref<256xi32, #tpu.memory_space<vmem>>)
      %add3A_549 = arith.constant 1 : i32
      %add3A_550 = arith.addi %mul3A_536, %add3A_549 : i32
      %dma_start3A_551 = arith.constant 0 : i32
      %dma_start3A_552 = arith.constant 0 : i32
      %dma_start3A_553 = tpu.memref_slice %arg3[%dma_start3A_551, %dma_start3A_552] : memref<1016960x64xf32, #tpu.memory_space<hbm>> -> memref<1016960x64xf32, #tpu.memory_space<hbm>>
      tpu.enqueue_indirect_dma source(%dma_start3A_553 : memref<1016960x64xf32, #tpu.memory_space<hbm>>) target(%arg8 : memref<256x64xf32, #tpu.memory_space<vmem>>) offsets(%arg6 : memref<256xi32, #tpu.memory_space<vmem>>) semaphore(%arg14 : memref<!tpu.dma_semaphore, #tpu.memory_space<semaphore_mem>>)
      %add3A_554 = arith.constant 2 : i32
      %add3A_555 = arith.addi %mul3A_536, %add3A_554 : i32
      %mul3A_556 = arith.constant 256 : i32
      %mul3A_557 = arith.muli %add3A_555, %mul3A_556 : i32
      %add3A_558 = arith.addi %mul3A_4, %mul3A_557 : i32
      %dma_start3A_559 = tpu.memref_slice %arg2[%add3A_558] : memref<819200xi32, #tpu.memory_space<hbm>> -> memref<256xi32, #tpu.memory_space<hbm>>
      %dma_start3A_560 = tpu.memref_slice %arg2[%add3A_558] : memref<819200xi32, #tpu.memory_space<hbm>> -> memref<256xi32, #tpu.memory_space<hbm>>
      tpu.enqueue_dma source(%dma_start3A_560 : memref<256xi32, #tpu.memory_space<hbm>>) target(%arg5 : memref<256xi32, #tpu.memory_space<vmem>>) target_semaphore(%arg11 : memref<!tpu.dma_semaphore, #tpu.memory_space<semaphore_mem>>)
      %dma_wait3A_561 = arith.constant 0 : i32
      %dma_wait3A_562 = arith.constant 0 : i32
      %dma_wait3A_563 = arith.constant 0 : i32
      %dma_wait3A_564 = arith.constant 0 : i32
      %dma_wait3A_565 = tpu.memref_slice %arg9[%dma_wait3A_563, %dma_wait3A_564] : memref<16x1024xf32, #tpu.memory_space<vmem>> -> memref<8x1024xf32, #tpu.memory_space<vmem>>
      %dma_wait3A_566 = arith.constant 0 : i32
      %dma_wait3A_567 = arith.constant 0 : i32
      %dma_wait3A_568 = tpu.memref_slice %arg4[%dma_wait3A_561, %dma_wait3A_566, %dma_wait3A_562, %dma_wait3A_567] : memref<200x8x32x1024xf32, #tpu.memory_space<hbm>> -> memref<1x8x1x1024xf32, #tpu.memory_space<hbm>>
      %dma_wait3A_569 = tpu.memref_squeeze %dma_wait3A_568 : memref<1x8x1x1024xf32, #tpu.memory_space<hbm>> -> memref<8x1024xf32, #tpu.memory_space<hbm>>
      %dma_wait3A_570 = arith.constant 0 : i32
      %dma_wait3A_571 = arith.constant 0 : i32
      %dma_wait3A_572 = tpu.memref_slice %arg4[%dma_wait3A_561, %dma_wait3A_570, %dma_wait3A_562, %dma_wait3A_571] : memref<200x8x32x1024xf32, #tpu.memory_space<hbm>> -> memref<1x8x1x1024xf32, #tpu.memory_space<hbm>>
      %dma_wait3A_573 = tpu.memref_squeeze %dma_wait3A_572 : memref<1x8x1x1024xf32, #tpu.memory_space<hbm>> -> memref<8x1024xf32, #tpu.memory_space<hbm>>
      %dma_wait3A_574 = arith.constant 0 : i32
      %dma_wait3A_575 = arith.constant 0 : i32
      %dma_wait3A_576 = tpu.memref_slice %arg9[%dma_wait3A_574, %dma_wait3A_575] : memref<16x1024xf32, #tpu.memory_space<vmem>> -> memref<8x1024xf32, #tpu.memory_space<vmem>>
      tpu.wait_dma2 semaphore(%arg15 : memref<!tpu.dma_semaphore, #tpu.memory_space<semaphore_mem>>) src(%dma_wait3A_576 : memref<8x1024xf32, #tpu.memory_space<vmem>>) dst(%dma_wait3A_573 : memref<8x1024xf32, #tpu.memory_space<hbm>>)
      %dma_wait3A_577 = arith.constant 0 : i32
      %dma_wait3A_578 = arith.constant 0 : i32
      %dma_wait3A_579 = arith.constant 0 : i32
      %dma_wait3A_580 = arith.constant 0 : i32
      %dma_wait3A_581 = tpu.memref_slice %arg9[%dma_wait3A_579, %dma_wait3A_580] : memref<16x1024xf32, #tpu.memory_space<vmem>> -> memref<8x1024xf32, #tpu.memory_space<vmem>>
      %dma_wait3A_582 = arith.constant 0 : i32
      %dma_wait3A_583 = arith.constant 0 : i32
      %dma_wait3A_584 = tpu.memref_slice %arg4[%dma_wait3A_577, %dma_wait3A_582, %dma_wait3A_578, %dma_wait3A_583] : memref<200x8x32x1024xf32, #tpu.memory_space<hbm>> -> memref<1x8x1x1024xf32, #tpu.memory_space<hbm>>
      %dma_wait3A_585 = tpu.memref_squeeze %dma_wait3A_584 : memref<1x8x1x1024xf32, #tpu.memory_space<hbm>> -> memref<8x1024xf32, #tpu.memory_space<hbm>>
      %dma_wait3A_586 = arith.constant 0 : i32
      %dma_wait3A_587 = arith.constant 0 : i32
      %dma_wait3A_588 = tpu.memref_slice %arg4[%dma_wait3A_577, %dma_wait3A_586, %dma_wait3A_578, %dma_wait3A_587] : memref<200x8x32x1024xf32, #tpu.memory_space<hbm>> -> memref<1x8x1x1024xf32, #tpu.memory_space<hbm>>
      %dma_wait3A_589 = tpu.memref_squeeze %dma_wait3A_588 : memref<1x8x1x1024xf32, #tpu.memory_space<hbm>> -> memref<8x1024xf32, #tpu.memory_space<hbm>>
      %dma_wait3A_590 = arith.constant 0 : i32
      %dma_wait3A_591 = arith.constant 0 : i32
      %dma_wait3A_592 = tpu.memref_slice %arg9[%dma_wait3A_590, %dma_wait3A_591] : memref<16x1024xf32, #tpu.memory_space<vmem>> -> memref<8x1024xf32, #tpu.memory_space<vmem>>
      tpu.wait_dma2 semaphore(%arg15 : memref<!tpu.dma_semaphore, #tpu.memory_space<semaphore_mem>>) src(%dma_wait3A_592 : memref<8x1024xf32, #tpu.memory_space<vmem>>) dst(%dma_wait3A_589 : memref<8x1024xf32, #tpu.memory_space<hbm>>)
      %parallel_loop3A_593 = arith.constant 0 : i32
      %parallel_loop3A_594 = arith.constant 1024 : i32
      %parallel_loop3A_595 = arith.constant 1 : i32
      scf.for %parallel_loop3A_815 = %parallel_loop3A_593 to %parallel_loop3A_594 step %parallel_loop3A_595  : i32 {
        %parallel_loop3A_816 = arith.constant 15 : i32
        %parallel_loop3A_817 = arith.andi %parallel_loop3A_815, %parallel_loop3A_816 : i32
        %parallel_loop3A_818 = arith.constant 4 : i32
        %parallel_loop3A_819 = arith.shrsi %parallel_loop3A_815, %parallel_loop3A_818 : i32
        %parallel_loop3A_820 = arith.constant 15 : i32
        %parallel_loop3A_821 = arith.andi %parallel_loop3A_819, %parallel_loop3A_820 : i32
        %parallel_loop3A_822 = arith.constant 8 : i32
        %parallel_loop3A_823 = arith.shrsi %parallel_loop3A_815, %parallel_loop3A_822 : i32
        %parallel_loop3A_824 = vector.broadcast %parallel_loop3A_817 : i32 to vector<16xi32>
        %parallel_loop3A_825 = arith.addi %iota3A, %parallel_loop3A_824 : vector<16xi32>
        %parallel_loop3A_826 = arith.constant 15 : i32
        %parallel_loop3A_827 = vector.broadcast %parallel_loop3A_826 : i32 to vector<16xi32>
        %parallel_loop3A_828 = arith.andi %parallel_loop3A_825, %parallel_loop3A_827 : vector<16xi32>
        %parallel_loop3A_829 = arith.constant 16 : i32
        %parallel_loop3A_830 = arith.muli %parallel_loop3A_821, %parallel_loop3A_829 : i32
        %parallel_loop3A_831 = vector.broadcast %parallel_loop3A_830 : i32 to vector<16xi32>
        %parallel_loop3A_832 = arith.addi %parallel_loop3A_831, %parallel_loop3A_828 : vector<16xi32>
        %parallel_loop3A_833 = arith.constant 16 : i32
        %parallel_loop3A_834 = arith.muli %parallel_loop3A_823, %parallel_loop3A_833 : i32
        %parallel_loop3A_835 = vector.broadcast %parallel_loop3A_834 : i32 to vector<16xi32>
        %parallel_loop3A_836 = arith.addi %parallel_loop3A_835, %iota3A : vector<16xi32>
        %parallel_loop3A_837 = tpu.vector_load_idx %arg7[%parallel_loop3A_832, %parallel_loop3A_836] : memref<256x64xf32, #tpu.memory_space<vmem>>[vector<16xi32>, vector<16xi32>], vector<16xf32>,
        %parallel_loop3A_838 = arith.constant 3 : i32
        %parallel_loop3A_839 = arith.shrsi %parallel_loop3A_821, %parallel_loop3A_838 : i32
        %parallel_loop3A_840 = arith.constant 8 : i32
        %parallel_loop3A_841 = arith.muli %parallel_loop3A_839, %parallel_loop3A_840 : i32
        %parallel_loop3A_842 = arith.constant 2 : i32
        %parallel_loop3A_843 = arith.muli %parallel_loop3A_823, %parallel_loop3A_842 : i32
        %parallel_loop3A_844 = arith.addi %parallel_loop3A_841, %parallel_loop3A_843 : i32
        %parallel_loop3A_845 = vector.broadcast %parallel_loop3A_844 : i32 to vector<16xi32>
        %parallel_loop3A_846 = arith.addi %parallel_loop3A_845, %shift_right_arithmetic3A_10 : vector<16xi32>
        %parallel_loop3A_847 = arith.constant 7 : i32
        %parallel_loop3A_848 = arith.andi %parallel_loop3A_821, %parallel_loop3A_847 : i32
        %parallel_loop3A_849 = arith.constant 16 : i32
        %parallel_loop3A_850 = arith.muli %parallel_loop3A_848, %parallel_loop3A_849 : i32
        %parallel_loop3A_851 = vector.broadcast %parallel_loop3A_850 : i32 to vector<16xi32>
        %parallel_loop3A_852 = arith.addi %parallel_loop3A_851, %parallel_loop3A_828 : vector<16xi32>
        %parallel_loop3A_853 = arith.addi %shift_left3A_8, %parallel_loop3A_852 : vector<16xi32>
        tpu.vector_store_idx %arg9[%parallel_loop3A_846, %parallel_loop3A_853], %parallel_loop3A_837 : memref<16x1024xf32, #tpu.memory_space<vmem>>[vector<16xi32>, vector<16xi32>], vector<16xf32>,
      } {sc.loop_unroll_factor = 4 : i64, sc.parallel_access}
      %mul3A_596 = arith.constant 100 : i32
      %mul3A_597 = arith.muli %add3A, %mul3A_596 : i32
      %add3A_598 = arith.addi %mul3A_597, %mul3A_536 : i32
      %jit3A_599 = arith.constant 16 : i32
      %div3A_600 = arith.divsi %add3A_598, %jit3A_599 : i32
      %sign3A_601 = arith.constant 0 : i32
      %sign3A_602 = arith.cmpi sgt, %add3A_598, %sign3A_601 : i32
      %sign3A_603 = arith.extui %sign3A_602 : i1 to i32
      %sign3A_604 = arith.constant 0 : i32
      %sign3A_605 = arith.cmpi slt, %add3A_598, %sign3A_604 : i32
      %sign3A_606 = arith.extui %sign3A_605 : i1 to i32
      %sign3A_607 = arith.subi %sign3A_603, %sign3A_606 : i32
      %sign3A_608 = arith.constant 0 : i32
      %sign3A_609 = arith.cmpi sgt, %jit3A_599, %sign3A_608 : i32
      %sign3A_610 = arith.extui %sign3A_609 : i1 to i32
      %sign3A_611 = arith.constant 0 : i32
      %sign3A_612 = arith.cmpi slt, %jit3A_599, %sign3A_611 : i32
      %sign3A_613 = arith.extui %sign3A_612 : i1 to i32
      %sign3A_614 = arith.subi %sign3A_610, %sign3A_613 : i32
      %ne3A_615 = arith.cmpi ne, %sign3A_607, %sign3A_614 : i32
      %rem3A_616 = arith.remsi %add3A_598, %jit3A_599 : i32
      %ne3A_617 = arith.constant 0 : i32
      %ne3A_618 = arith.cmpi ne, %rem3A_616, %ne3A_617 : i32
      %and3A_619 = arith.andi %ne3A_615, %ne3A_618 : i1
      %sub3A_620 = arith.constant 1 : i32
      %sub3A_621 = arith.subi %div3A_600, %sub3A_620 : i32
      %select_n3A_622 = arith.select %and3A_619, %sub3A_621, %div3A_600 : i32
      %jit3A_623 = arith.constant 16 : i32
      %eq3A_624 = arith.constant 0 : i32
      %eq3A_625 = arith.cmpi eq, %jit3A_623, %eq3A_624 : i32
      %jit3A_626 = arith.constant 1 : i32
      %select_n3A_627 = arith.select %eq3A_625, %jit3A_626, %jit3A_623 : i32
      %rem3A_628 = arith.remsi %add3A_598, %select_n3A_627 : i32
      %ne3A_629 = arith.constant 0 : i32
      %ne3A_630 = arith.cmpi ne, %rem3A_628, %ne3A_629 : i32
      %lt3A_631 = arith.constant 0 : i32
      %lt3A_632 = arith.cmpi slt, %rem3A_628, %lt3A_631 : i32
      %lt3A_633 = arith.constant 0 : i32
      %lt3A_634 = arith.cmpi slt, %select_n3A_627, %lt3A_633 : i32
      %ne3A_635 = arith.xori %lt3A_632, %lt3A_634 : i1
      %and3A_636 = arith.andi %ne3A_635, %ne3A_630 : i1
      %add3A_637 = arith.addi %rem3A_628, %select_n3A_627 : i32
      %select_n3A_638 = arith.select %and3A_636, %add3A_637, %rem3A_628 : i32
      %mul3A_639 = arith.constant 2 : i32
      %mul3A_640 = arith.muli %mul3A_639, %select_n3A_638 : i32
      %add3A_641 = arith.constant 0 : i32
      %add3A_642 = arith.addi %mul3A_640, %add3A_641 : i32
      %dma_start3A_643 = arith.constant 0 : i32
      %dma_start3A_644 = arith.constant 0 : i32
      %dma_start3A_645 = tpu.memref_slice %arg9[%dma_start3A_643, %dma_start3A_644] : memref<16x1024xf32, #tpu.memory_space<vmem>> -> memref<8x1024xf32, #tpu.memory_space<vmem>>
      %dma_start3A_646 = arith.constant 0 : i32
      %dma_start3A_647 = arith.constant 0 : i32
      %dma_start3A_648 = tpu.memref_slice %arg4[%select_n3A_622, %dma_start3A_646, %add3A_642, %dma_start3A_647] : memref<200x8x32x1024xf32, #tpu.memory_space<hbm>> -> memref<1x8x1x1024xf32, #tpu.memory_space<hbm>>
      %dma_start3A_649 = tpu.memref_squeeze %dma_start3A_648 : memref<1x8x1x1024xf32, #tpu.memory_space<hbm>> -> memref<8x1024xf32, #tpu.memory_space<hbm>>
      %dma_start3A_650 = arith.constant 0 : i32
      %dma_start3A_651 = arith.constant 0 : i32
      %dma_start3A_652 = tpu.memref_slice %arg4[%select_n3A_622, %dma_start3A_650, %add3A_642, %dma_start3A_651] : memref<200x8x32x1024xf32, #tpu.memory_space<hbm>> -> memref<1x8x1x1024xf32, #tpu.memory_space<hbm>>
      %dma_start3A_653 = tpu.memref_squeeze %dma_start3A_652 : memref<1x8x1x1024xf32, #tpu.memory_space<hbm>> -> memref<8x1024xf32, #tpu.memory_space<hbm>>
      %dma_start3A_654 = arith.constant 0 : i32
      %dma_start3A_655 = arith.constant 0 : i32
      %dma_start3A_656 = tpu.memref_slice %arg9[%dma_start3A_654, %dma_start3A_655] : memref<16x1024xf32, #tpu.memory_space<vmem>> -> memref<8x1024xf32, #tpu.memory_space<vmem>>
      tpu.enqueue_dma source(%dma_start3A_656 : memref<8x1024xf32, #tpu.memory_space<vmem>>) target(%dma_start3A_653 : memref<8x1024xf32, #tpu.memory_space<hbm>>) target_semaphore(%arg15 : memref<!tpu.dma_semaphore, #tpu.memory_space<semaphore_mem>>)
      %mul3A_657 = arith.constant 2 : i32
      %mul3A_658 = arith.muli %mul3A_657, %select_n3A_638 : i32
      %add3A_659 = arith.constant 1 : i32
      %add3A_660 = arith.addi %mul3A_658, %add3A_659 : i32
      %dma_start3A_661 = arith.constant 8 : i32
      %dma_start3A_662 = arith.constant 0 : i32
      %dma_start3A_663 = tpu.memref_slice %arg9[%dma_start3A_661, %dma_start3A_662] : memref<16x1024xf32, #tpu.memory_space<vmem>> -> memref<8x1024xf32, #tpu.memory_space<vmem>>
      %dma_start3A_664 = arith.constant 0 : i32
      %dma_start3A_665 = arith.constant 0 : i32
      %dma_start3A_666 = tpu.memref_slice %arg4[%select_n3A_622, %dma_start3A_664, %add3A_660, %dma_start3A_665] : memref<200x8x32x1024xf32, #tpu.memory_space<hbm>> -> memref<1x8x1x1024xf32, #tpu.memory_space<hbm>>
      %dma_start3A_667 = tpu.memref_squeeze %dma_start3A_666 : memref<1x8x1x1024xf32, #tpu.memory_space<hbm>> -> memref<8x1024xf32, #tpu.memory_space<hbm>>
      %dma_start3A_668 = arith.constant 0 : i32
      %dma_start3A_669 = arith.constant 0 : i32
      %dma_start3A_670 = tpu.memref_slice %arg4[%select_n3A_622, %dma_start3A_668, %add3A_660, %dma_start3A_669] : memref<200x8x32x1024xf32, #tpu.memory_space<hbm>> -> memref<1x8x1x1024xf32, #tpu.memory_space<hbm>>
      %dma_start3A_671 = tpu.memref_squeeze %dma_start3A_670 : memref<1x8x1x1024xf32, #tpu.memory_space<hbm>> -> memref<8x1024xf32, #tpu.memory_space<hbm>>
      %dma_start3A_672 = arith.constant 8 : i32
      %dma_start3A_673 = arith.constant 0 : i32
      %dma_start3A_674 = tpu.memref_slice %arg9[%dma_start3A_672, %dma_start3A_673] : memref<16x1024xf32, #tpu.memory_space<vmem>> -> memref<8x1024xf32, #tpu.memory_space<vmem>>
      tpu.enqueue_dma source(%dma_start3A_674 : memref<8x1024xf32, #tpu.memory_space<vmem>>) target(%dma_start3A_671 : memref<8x1024xf32, #tpu.memory_space<hbm>>) target_semaphore(%arg15 : memref<!tpu.dma_semaphore, #tpu.memory_space<semaphore_mem>>)
      %add3A_675 = arith.constant 1 : i32
      %add3A_676 = arith.addi %mul3A_536, %add3A_675 : i32
      %dma_wait3A_677 = arith.constant 0 : i32
      %dma_wait3A_678 = arith.constant 0 : i32
      %dma_wait3A_679 = arith.constant 0 : i32
      %dma_wait3A_680 = arith.constant 0 : i32
      %dma_wait3A_681 = tpu.memref_slice %arg4[%dma_wait3A_677, %dma_wait3A_678, %dma_wait3A_679, %dma_wait3A_680] : memref<200x8x32x1024xf32, #tpu.memory_space<hbm>> -> memref<1x1x16x1024xf32, #tpu.memory_space<hbm>>
      %dma_wait3A_682 = tpu.memref_squeeze %dma_wait3A_681 : memref<1x1x16x1024xf32, #tpu.memory_space<hbm>> -> memref<16x1024xf32, #tpu.memory_space<hbm>>
      %dma_wait3A_683 = arith.constant 0 : i32
      %dma_wait3A_684 = arith.constant 0 : i32
      %dma_wait3A_685 = tpu.memref_slice %arg4[%dma_wait3A_677, %dma_wait3A_678, %dma_wait3A_683, %dma_wait3A_684] : memref<200x8x32x1024xf32, #tpu.memory_space<hbm>> -> memref<1x1x16x1024xf32, #tpu.memory_space<hbm>>
      %dma_wait3A_686 = tpu.memref_squeeze %dma_wait3A_685 : memref<1x1x16x1024xf32, #tpu.memory_space<hbm>> -> memref<16x1024xf32, #tpu.memory_space<hbm>>
      tpu.wait_dma2 semaphore(%arg14 : memref<!tpu.dma_semaphore, #tpu.memory_space<semaphore_mem>>) src(%dma_wait3A_686 : memref<16x1024xf32, #tpu.memory_space<hbm>>) dst(%arg8 : memref<256x64xf32, #tpu.memory_space<vmem>>)
      %dma_wait3A_687 = tpu.memref_slice %arg2[%mul3A_4] : memref<819200xi32, #tpu.memory_space<hbm>> -> memref<256xi32, #tpu.memory_space<hbm>>
      %dma_wait3A_688 = tpu.memref_slice %arg2[%mul3A_4] : memref<819200xi32, #tpu.memory_space<hbm>> -> memref<256xi32, #tpu.memory_space<hbm>>
      tpu.wait_dma2 semaphore(%arg11 : memref<!tpu.dma_semaphore, #tpu.memory_space<semaphore_mem>>) src(%dma_wait3A_688 : memref<256xi32, #tpu.memory_space<hbm>>) dst(%arg5 : memref<256xi32, #tpu.memory_space<vmem>>)
      %add3A_689 = arith.constant 1 : i32
      %add3A_690 = arith.addi %add3A_676, %add3A_689 : i32
      %dma_start3A_691 = arith.constant 0 : i32
      %dma_start3A_692 = arith.constant 0 : i32
      %dma_start3A_693 = tpu.memref_slice %arg3[%dma_start3A_691, %dma_start3A_692] : memref<1016960x64xf32, #tpu.memory_space<hbm>> -> memref<1016960x64xf32, #tpu.memory_space<hbm>>
      tpu.enqueue_indirect_dma source(%dma_start3A_693 : memref<1016960x64xf32, #tpu.memory_space<hbm>>) target(%arg7 : memref<256x64xf32, #tpu.memory_space<vmem>>) offsets(%arg5 : memref<256xi32, #tpu.memory_space<vmem>>) semaphore(%arg13 : memref<!tpu.dma_semaphore, #tpu.memory_space<semaphore_mem>>)
      %add3A_694 = arith.constant 2 : i32
      %add3A_695 = arith.addi %add3A_676, %add3A_694 : i32
      %mul3A_696 = arith.constant 256 : i32
      %mul3A_697 = arith.muli %add3A_695, %mul3A_696 : i32
      %add3A_698 = arith.addi %mul3A_4, %mul3A_697 : i32
      %dma_start3A_699 = tpu.memref_slice %arg2[%add3A_698] : memref<819200xi32, #tpu.memory_space<hbm>> -> memref<256xi32, #tpu.memory_space<hbm>>
      %dma_start3A_700 = tpu.memref_slice %arg2[%add3A_698] : memref<819200xi32, #tpu.memory_space<hbm>> -> memref<256xi32, #tpu.memory_space<hbm>>
      tpu.enqueue_dma source(%dma_start3A_700 : memref<256xi32, #tpu.memory_space<hbm>>) target(%arg6 : memref<256xi32, #tpu.memory_space<vmem>>) target_semaphore(%arg12 : memref<!tpu.dma_semaphore, #tpu.memory_space<semaphore_mem>>)
      %dma_wait3A_701 = arith.constant 0 : i32
      %dma_wait3A_702 = arith.constant 0 : i32
      %dma_wait3A_703 = arith.constant 0 : i32
      %dma_wait3A_704 = arith.constant 0 : i32
      %dma_wait3A_705 = tpu.memref_slice %arg10[%dma_wait3A_703, %dma_wait3A_704] : memref<16x1024xf32, #tpu.memory_space<vmem>> -> memref<8x1024xf32, #tpu.memory_space<vmem>>
      %dma_wait3A_706 = arith.constant 0 : i32
      %dma_wait3A_707 = arith.constant 0 : i32
      %dma_wait3A_708 = tpu.memref_slice %arg4[%dma_wait3A_701, %dma_wait3A_706, %dma_wait3A_702, %dma_wait3A_707] : memref<200x8x32x1024xf32, #tpu.memory_space<hbm>> -> memref<1x8x1x1024xf32, #tpu.memory_space<hbm>>
      %dma_wait3A_709 = tpu.memref_squeeze %dma_wait3A_708 : memref<1x8x1x1024xf32, #tpu.memory_space<hbm>> -> memref<8x1024xf32, #tpu.memory_space<hbm>>
      %dma_wait3A_710 = arith.constant 0 : i32
      %dma_wait3A_711 = arith.constant 0 : i32
      %dma_wait3A_712 = tpu.memref_slice %arg4[%dma_wait3A_701, %dma_wait3A_710, %dma_wait3A_702, %dma_wait3A_711] : memref<200x8x32x1024xf32, #tpu.memory_space<hbm>> -> memref<1x8x1x1024xf32, #tpu.memory_space<hbm>>
      %dma_wait3A_713 = tpu.memref_squeeze %dma_wait3A_712 : memref<1x8x1x1024xf32, #tpu.memory_space<hbm>> -> memref<8x1024xf32, #tpu.memory_space<hbm>>
      %dma_wait3A_714 = arith.constant 0 : i32
      %dma_wait3A_715 = arith.constant 0 : i32
      %dma_wait3A_716 = tpu.memref_slice %arg10[%dma_wait3A_714, %dma_wait3A_715] : memref<16x1024xf32, #tpu.memory_space<vmem>> -> memref<8x1024xf32, #tpu.memory_space<vmem>>
      tpu.wait_dma2 semaphore(%arg16 : memref<!tpu.dma_semaphore, #tpu.memory_space<semaphore_mem>>) src(%dma_wait3A_716 : memref<8x1024xf32, #tpu.memory_space<vmem>>) dst(%dma_wait3A_713 : memref<8x1024xf32, #tpu.memory_space<hbm>>)
      %dma_wait3A_717 = arith.constant 0 : i32
      %dma_wait3A_718 = arith.constant 0 : i32
      %dma_wait3A_719 = arith.constant 0 : i32
      %dma_wait3A_720 = arith.constant 0 : i32
      %dma_wait3A_721 = tpu.memref_slice %arg10[%dma_wait3A_719, %dma_wait3A_720] : memref<16x1024xf32, #tpu.memory_space<vmem>> -> memref<8x1024xf32, #tpu.memory_space<vmem>>
      %dma_wait3A_722 = arith.constant 0 : i32
      %dma_wait3A_723 = arith.constant 0 : i32
      %dma_wait3A_724 = tpu.memref_slice %arg4[%dma_wait3A_717, %dma_wait3A_722, %dma_wait3A_718, %dma_wait3A_723] : memref<200x8x32x1024xf32, #tpu.memory_space<hbm>> -> memref<1x8x1x1024xf32, #tpu.memory_space<hbm>>
      %dma_wait3A_725 = tpu.memref_squeeze %dma_wait3A_724 : memref<1x8x1x1024xf32, #tpu.memory_space<hbm>> -> memref<8x1024xf32, #tpu.memory_space<hbm>>
      %dma_wait3A_726 = arith.constant 0 : i32
      %dma_wait3A_727 = arith.constant 0 : i32
      %dma_wait3A_728 = tpu.memref_slice %arg4[%dma_wait3A_717, %dma_wait3A_726, %dma_wait3A_718, %dma_wait3A_727] : memref<200x8x32x1024xf32, #tpu.memory_space<hbm>> -> memref<1x8x1x1024xf32, #tpu.memory_space<hbm>>
      %dma_wait3A_729 = tpu.memref_squeeze %dma_wait3A_728 : memref<1x8x1x1024xf32, #tpu.memory_space<hbm>> -> memref<8x1024xf32, #tpu.memory_space<hbm>>
      %dma_wait3A_730 = arith.constant 0 : i32
      %dma_wait3A_731 = arith.constant 0 : i32
      %dma_wait3A_732 = tpu.memref_slice %arg10[%dma_wait3A_730, %dma_wait3A_731] : memref<16x1024xf32, #tpu.memory_space<vmem>> -> memref<8x1024xf32, #tpu.memory_space<vmem>>
      tpu.wait_dma2 semaphore(%arg16 : memref<!tpu.dma_semaphore, #tpu.memory_space<semaphore_mem>>) src(%dma_wait3A_732 : memref<8x1024xf32, #tpu.memory_space<vmem>>) dst(%dma_wait3A_729 : memref<8x1024xf32, #tpu.memory_space<hbm>>)
      %parallel_loop3A_733 = arith.constant 0 : i32
      %parallel_loop3A_734 = arith.constant 1024 : i32
      %parallel_loop3A_735 = arith.constant 1 : i32
      scf.for %parallel_loop3A_815 = %parallel_loop3A_733 to %parallel_loop3A_734 step %parallel_loop3A_735  : i32 {
        %parallel_loop3A_816 = arith.constant 15 : i32
        %parallel_loop3A_817 = arith.andi %parallel_loop3A_815, %parallel_loop3A_816 : i32
        %parallel_loop3A_818 = arith.constant 4 : i32
        %parallel_loop3A_819 = arith.shrsi %parallel_loop3A_815, %parallel_loop3A_818 : i32
        %parallel_loop3A_820 = arith.constant 15 : i32
        %parallel_loop3A_821 = arith.andi %parallel_loop3A_819, %parallel_loop3A_820 : i32
        %parallel_loop3A_822 = arith.constant 8 : i32
        %parallel_loop3A_823 = arith.shrsi %parallel_loop3A_815, %parallel_loop3A_822 : i32
        %parallel_loop3A_824 = vector.broadcast %parallel_loop3A_817 : i32 to vector<16xi32>
        %parallel_loop3A_825 = arith.addi %iota3A, %parallel_loop3A_824 : vector<16xi32>
        %parallel_loop3A_826 = arith.constant 15 : i32
        %parallel_loop3A_827 = vector.broadcast %parallel_loop3A_826 : i32 to vector<16xi32>
        %parallel_loop3A_828 = arith.andi %parallel_loop3A_825, %parallel_loop3A_827 : vector<16xi32>
        %parallel_loop3A_829 = arith.constant 16 : i32
        %parallel_loop3A_830 = arith.muli %parallel_loop3A_821, %parallel_loop3A_829 : i32
        %parallel_loop3A_831 = vector.broadcast %parallel_loop3A_830 : i32 to vector<16xi32>
        %parallel_loop3A_832 = arith.addi %parallel_loop3A_831, %parallel_loop3A_828 : vector<16xi32>
        %parallel_loop3A_833 = arith.constant 16 : i32
        %parallel_loop3A_834 = arith.muli %parallel_loop3A_823, %parallel_loop3A_833 : i32
        %parallel_loop3A_835 = vector.broadcast %parallel_loop3A_834 : i32 to vector<16xi32>
        %parallel_loop3A_836 = arith.addi %parallel_loop3A_835, %iota3A : vector<16xi32>
        %parallel_loop3A_837 = tpu.vector_load_idx %arg8[%parallel_loop3A_832, %parallel_loop3A_836] : memref<256x64xf32, #tpu.memory_space<vmem>>[vector<16xi32>, vector<16xi32>], vector<16xf32>,
        %parallel_loop3A_838 = arith.constant 3 : i32
        %parallel_loop3A_839 = arith.shrsi %parallel_loop3A_821, %parallel_loop3A_838 : i32
        %parallel_loop3A_840 = arith.constant 8 : i32
        %parallel_loop3A_841 = arith.muli %parallel_loop3A_839, %parallel_loop3A_840 : i32
        %parallel_loop3A_842 = arith.constant 2 : i32
        %parallel_loop3A_843 = arith.muli %parallel_loop3A_823, %parallel_loop3A_842 : i32
        %parallel_loop3A_844 = arith.addi %parallel_loop3A_841, %parallel_loop3A_843 : i32
        %parallel_loop3A_845 = vector.broadcast %parallel_loop3A_844 : i32 to vector<16xi32>
        %parallel_loop3A_846 = arith.addi %parallel_loop3A_845, %shift_right_arithmetic3A_10 : vector<16xi32>
        %parallel_loop3A_847 = arith.constant 7 : i32
        %parallel_loop3A_848 = arith.andi %parallel_loop3A_821, %parallel_loop3A_847 : i32
        %parallel_loop3A_849 = arith.constant 16 : i32
        %parallel_loop3A_850 = arith.muli %parallel_loop3A_848, %parallel_loop3A_849 : i32
        %parallel_loop3A_851 = vector.broadcast %parallel_loop3A_850 : i32 to vector<16xi32>
        %parallel_loop3A_852 = arith.addi %parallel_loop3A_851, %parallel_loop3A_828 : vector<16xi32>
        %parallel_loop3A_853 = arith.addi %shift_left3A_8, %parallel_loop3A_852 : vector<16xi32>
        tpu.vector_store_idx %arg10[%parallel_loop3A_846, %parallel_loop3A_853], %parallel_loop3A_837 : memref<16x1024xf32, #tpu.memory_space<vmem>>[vector<16xi32>, vector<16xi32>], vector<16xf32>,
      } {sc.loop_unroll_factor = 4 : i64, sc.parallel_access}
      %mul3A_736 = arith.constant 100 : i32
      %mul3A_737 = arith.muli %add3A, %mul3A_736 : i32
      %add3A_738 = arith.addi %mul3A_737, %add3A_676 : i32
      %jit3A_739 = arith.constant 16 : i32
      %div3A_740 = arith.divsi %add3A_738, %jit3A_739 : i32
      %sign3A_741 = arith.constant 0 : i32
      %sign3A_742 = arith.cmpi sgt, %add3A_738, %sign3A_741 : i32
      %sign3A_743 = arith.extui %sign3A_742 : i1 to i32
      %sign3A_744 = arith.constant 0 : i32
      %sign3A_745 = arith.cmpi slt, %add3A_738, %sign3A_744 : i32
      %sign3A_746 = arith.extui %sign3A_745 : i1 to i32
      %sign3A_747 = arith.subi %sign3A_743, %sign3A_746 : i32
      %sign3A_748 = arith.constant 0 : i32
      %sign3A_749 = arith.cmpi sgt, %jit3A_739, %sign3A_748 : i32
      %sign3A_750 = arith.extui %sign3A_749 : i1 to i32
      %sign3A_751 = arith.constant 0 : i32
      %sign3A_752 = arith.cmpi slt, %jit3A_739, %sign3A_751 : i32
      %sign3A_753 = arith.extui %sign3A_752 : i1 to i32
      %sign3A_754 = arith.subi %sign3A_750, %sign3A_753 : i32
      %ne3A_755 = arith.cmpi ne, %sign3A_747, %sign3A_754 : i32
      %rem3A_756 = arith.remsi %add3A_738, %jit3A_739 : i32
      %ne3A_757 = arith.constant 0 : i32
      %ne3A_758 = arith.cmpi ne, %rem3A_756, %ne3A_757 : i32
      %and3A_759 = arith.andi %ne3A_755, %ne3A_758 : i1
      %sub3A_760 = arith.constant 1 : i32
      %sub3A_761 = arith.subi %div3A_740, %sub3A_760 : i32
      %select_n3A_762 = arith.select %and3A_759, %sub3A_761, %div3A_740 : i32
      %jit3A_763 = arith.constant 16 : i32
      %eq3A_764 = arith.constant 0 : i32
      %eq3A_765 = arith.cmpi eq, %jit3A_763, %eq3A_764 : i32
      %jit3A_766 = arith.constant 1 : i32
      %select_n3A_767 = arith.select %eq3A_765, %jit3A_766, %jit3A_763 : i32
      %rem3A_768 = arith.remsi %add3A_738, %select_n3A_767 : i32
      %ne3A_769 = arith.constant 0 : i32
      %ne3A_770 = arith.cmpi ne, %rem3A_768, %ne3A_769 : i32
      %lt3A_771 = arith.constant 0 : i32
      %lt3A_772 = arith.cmpi slt, %rem3A_768, %lt3A_771 : i32
      %lt3A_773 = arith.constant 0 : i32
      %lt3A_774 = arith.cmpi slt, %select_n3A_767, %lt3A_773 : i32
      %ne3A_775 = arith.xori %lt3A_772, %lt3A_774 : i1
      %and3A_776 = arith.andi %ne3A_775, %ne3A_770 : i1
      %add3A_777 = arith.addi %rem3A_768, %select_n3A_767 : i32
      %select_n3A_778 = arith.select %and3A_776, %add3A_777, %rem3A_768 : i32
      %mul3A_779 = arith.constant 2 : i32
      %mul3A_780 = arith.muli %mul3A_779, %select_n3A_778 : i32
      %add3A_781 = arith.constant 0 : i32
      %add3A_782 = arith.addi %mul3A_780, %add3A_781 : i32
      %dma_start3A_783 = arith.constant 0 : i32
      %dma_start3A_784 = arith.constant 0 : i32
      %dma_start3A_785 = tpu.memref_slice %arg10[%dma_start3A_783, %dma_start3A_784] : memref<16x1024xf32, #tpu.memory_space<vmem>> -> memref<8x1024xf32, #tpu.memory_space<vmem>>
      %dma_start3A_786 = arith.constant 0 : i32
      %dma_start3A_787 = arith.constant 0 : i32
      %dma_start3A_788 = tpu.memref_slice %arg4[%select_n3A_762, %dma_start3A_786, %add3A_782, %dma_start3A_787] : memref<200x8x32x1024xf32, #tpu.memory_space<hbm>> -> memref<1x8x1x1024xf32, #tpu.memory_space<hbm>>
      %dma_start3A_789 = tpu.memref_squeeze %dma_start3A_788 : memref<1x8x1x1024xf32, #tpu.memory_space<hbm>> -> memref<8x1024xf32, #tpu.memory_space<hbm>>
      %dma_start3A_790 = arith.constant 0 : i32
      %dma_start3A_791 = arith.constant 0 : i32
      %dma_start3A_792 = tpu.memref_slice %arg4[%select_n3A_762, %dma_start3A_790, %add3A_782, %dma_start3A_791] : memref<200x8x32x1024xf32, #tpu.memory_space<hbm>> -> memref<1x8x1x1024xf32, #tpu.memory_space<hbm>>
      %dma_start3A_793 = tpu.memref_squeeze %dma_start3A_792 : memref<1x8x1x1024xf32, #tpu.memory_space<hbm>> -> memref<8x1024xf32, #tpu.memory_space<hbm>>
      %dma_start3A_794 = arith.constant 0 : i32
      %dma_start3A_795 = arith.constant 0 : i32
      %dma_start3A_796 = tpu.memref_slice %arg10[%dma_start3A_794, %dma_start3A_795] : memref<16x1024xf32, #tpu.memory_space<vmem>> -> memref<8x1024xf32, #tpu.memory_space<vmem>>
      tpu.enqueue_dma source(%dma_start3A_796 : memref<8x1024xf32, #tpu.memory_space<vmem>>) target(%dma_start3A_793 : memref<8x1024xf32, #tpu.memory_space<hbm>>) target_semaphore(%arg16 : memref<!tpu.dma_semaphore, #tpu.memory_space<semaphore_mem>>)
      %mul3A_797 = arith.constant 2 : i32
      %mul3A_798 = arith.muli %mul3A_797, %select_n3A_778 : i32
      %add3A_799 = arith.constant 1 : i32
      %add3A_800 = arith.addi %mul3A_798, %add3A_799 : i32
      %dma_start3A_801 = arith.constant 8 : i32
      %dma_start3A_802 = arith.constant 0 : i32
      %dma_start3A_803 = tpu.memref_slice %arg10[%dma_start3A_801, %dma_start3A_802] : memref<16x1024xf32, #tpu.memory_space<vmem>> -> memref<8x1024xf32, #tpu.memory_space<vmem>>
      %dma_start3A_804 = arith.constant 0 : i32
      %dma_start3A_805 = arith.constant 0 : i32
      %dma_start3A_806 = tpu.memref_slice %arg4[%select_n3A_762, %dma_start3A_804, %add3A_800, %dma_start3A_805] : memref<200x8x32x1024xf32, #tpu.memory_space<hbm>> -> memref<1x8x1x1024xf32, #tpu.memory_space<hbm>>
      %dma_start3A_807 = tpu.memref_squeeze %dma_start3A_806 : memref<1x8x1x1024xf32, #tpu.memory_space<hbm>> -> memref<8x1024xf32, #tpu.memory_space<hbm>>
      %dma_start3A_808 = arith.constant 0 : i32
      %dma_start3A_809 = arith.constant 0 : i32
      %dma_start3A_810 = tpu.memref_slice %arg4[%select_n3A_762, %dma_start3A_808, %add3A_800, %dma_start3A_809] : memref<200x8x32x1024xf32, #tpu.memory_space<hbm>> -> memref<1x8x1x1024xf32, #tpu.memory_space<hbm>>
      %dma_start3A_811 = tpu.memref_squeeze %dma_start3A_810 : memref<1x8x1x1024xf32, #tpu.memory_space<hbm>> -> memref<8x1024xf32, #tpu.memory_space<hbm>>
      %dma_start3A_812 = arith.constant 8 : i32
      %dma_start3A_813 = arith.constant 0 : i32
      %dma_start3A_814 = tpu.memref_slice %arg10[%dma_start3A_812, %dma_start3A_813] : memref<16x1024xf32, #tpu.memory_space<vmem>> -> memref<8x1024xf32, #tpu.memory_space<vmem>>
      tpu.enqueue_dma source(%dma_start3A_814 : memref<8x1024xf32, #tpu.memory_space<vmem>>) target(%dma_start3A_811 : memref<8x1024xf32, #tpu.memory_space<hbm>>) target_semaphore(%arg16 : memref<!tpu.dma_semaphore, #tpu.memory_space<semaphore_mem>>)
    }
    %scan3A_214 = arith.constant 48 : i32
    %dma_wait3A_215 = arith.constant 0 : i32
    %dma_wait3A_216 = arith.constant 0 : i32
    %dma_wait3A_217 = arith.constant 0 : i32
    %dma_wait3A_218 = arith.constant 0 : i32
    %dma_wait3A_219 = tpu.memref_slice %arg4[%dma_wait3A_215, %dma_wait3A_216, %dma_wait3A_217, %dma_wait3A_218] : memref<200x8x32x1024xf32, #tpu.memory_space<hbm>> -> memref<1x1x16x1024xf32, #tpu.memory_space<hbm>>
    %dma_wait3A_220 = tpu.memref_squeeze %dma_wait3A_219 : memref<1x1x16x1024xf32, #tpu.memory_space<hbm>> -> memref<16x1024xf32, #tpu.memory_space<hbm>>
    %dma_wait3A_221 = arith.constant 0 : i32
    %dma_wait3A_222 = arith.constant 0 : i32
    %dma_wait3A_223 = tpu.memref_slice %arg4[%dma_wait3A_215, %dma_wait3A_216, %dma_wait3A_221, %dma_wait3A_222] : memref<200x8x32x1024xf32, #tpu.memory_space<hbm>> -> memref<1x1x16x1024xf32, #tpu.memory_space<hbm>>
    %dma_wait3A_224 = tpu.memref_squeeze %dma_wait3A_223 : memref<1x1x16x1024xf32, #tpu.memory_space<hbm>> -> memref<16x1024xf32, #tpu.memory_space<hbm>>
    tpu.wait_dma2 semaphore(%arg13 : memref<!tpu.dma_semaphore, #tpu.memory_space<semaphore_mem>>) src(%dma_wait3A_224 : memref<16x1024xf32, #tpu.memory_space<hbm>>) dst(%arg7 : memref<256x64xf32, #tpu.memory_space<vmem>>)
    %dma_wait3A_225 = tpu.memref_slice %arg2[%mul3A_4] : memref<819200xi32, #tpu.memory_space<hbm>> -> memref<256xi32, #tpu.memory_space<hbm>>
    %dma_wait3A_226 = tpu.memref_slice %arg2[%mul3A_4] : memref<819200xi32, #tpu.memory_space<hbm>> -> memref<256xi32, #tpu.memory_space<hbm>>
    tpu.wait_dma2 semaphore(%arg12 : memref<!tpu.dma_semaphore, #tpu.memory_space<semaphore_mem>>) src(%dma_wait3A_226 : memref<256xi32, #tpu.memory_space<hbm>>) dst(%arg6 : memref<256xi32, #tpu.memory_space<vmem>>)
    %dma_start3A_227 = arith.constant 0 : i32
    %dma_start3A_228 = arith.constant 0 : i32
    %dma_start3A_229 = tpu.memref_slice %arg3[%dma_start3A_227, %dma_start3A_228] : memref<1016960x64xf32, #tpu.memory_space<hbm>> -> memref<1016960x64xf32, #tpu.memory_space<hbm>>
    tpu.enqueue_indirect_dma source(%dma_start3A_229 : memref<1016960x64xf32, #tpu.memory_space<hbm>>) target(%arg8 : memref<256x64xf32, #tpu.memory_space<vmem>>) offsets(%arg6 : memref<256xi32, #tpu.memory_space<vmem>>) semaphore(%arg14 : memref<!tpu.dma_semaphore, #tpu.memory_space<semaphore_mem>>)
    %dma_wait3A_230 = arith.constant 0 : i32
    %dma_wait3A_231 = arith.constant 0 : i32
    %dma_wait3A_232 = arith.constant 0 : i32
    %dma_wait3A_233 = arith.constant 0 : i32
    %dma_wait3A_234 = tpu.memref_slice %arg9[%dma_wait3A_232, %dma_wait3A_233] : memref<16x1024xf32, #tpu.memory_space<vmem>> -> memref<8x1024xf32, #tpu.memory_space<vmem>>
    %dma_wait3A_235 = arith.constant 0 : i32
    %dma_wait3A_236 = arith.constant 0 : i32
    %dma_wait3A_237 = tpu.memref_slice %arg4[%dma_wait3A_230, %dma_wait3A_235, %dma_wait3A_231, %dma_wait3A_236] : memref<200x8x32x1024xf32, #tpu.memory_space<hbm>> -> memref<1x8x1x1024xf32, #tpu.memory_space<hbm>>
    %dma_wait3A_238 = tpu.memref_squeeze %dma_wait3A_237 : memref<1x8x1x1024xf32, #tpu.memory_space<hbm>> -> memref<8x1024xf32, #tpu.memory_space<hbm>>
    %dma_wait3A_239 = arith.constant 0 : i32
    %dma_wait3A_240 = arith.constant 0 : i32
    %dma_wait3A_241 = tpu.memref_slice %arg4[%dma_wait3A_230, %dma_wait3A_239, %dma_wait3A_231, %dma_wait3A_240] : memref<200x8x32x1024xf32, #tpu.memory_space<hbm>> -> memref<1x8x1x1024xf32, #tpu.memory_space<hbm>>
    %dma_wait3A_242 = tpu.memref_squeeze %dma_wait3A_241 : memref<1x8x1x1024xf32, #tpu.memory_space<hbm>> -> memref<8x1024xf32, #tpu.memory_space<hbm>>
    %dma_wait3A_243 = arith.constant 0 : i32
    %dma_wait3A_244 = arith.constant 0 : i32
    %dma_wait3A_245 = tpu.memref_slice %arg9[%dma_wait3A_243, %dma_wait3A_244] : memref<16x1024xf32, #tpu.memory_space<vmem>> -> memref<8x1024xf32, #tpu.memory_space<vmem>>
    tpu.wait_dma2 semaphore(%arg15 : memref<!tpu.dma_semaphore, #tpu.memory_space<semaphore_mem>>) src(%dma_wait3A_245 : memref<8x1024xf32, #tpu.memory_space<vmem>>) dst(%dma_wait3A_242 : memref<8x1024xf32, #tpu.memory_space<hbm>>)
    %dma_wait3A_246 = arith.constant 0 : i32
    %dma_wait3A_247 = arith.constant 0 : i32
    %dma_wait3A_248 = arith.constant 0 : i32
    %dma_wait3A_249 = arith.constant 0 : i32
    %dma_wait3A_250 = tpu.memref_slice %arg9[%dma_wait3A_248, %dma_wait3A_249] : memref<16x1024xf32, #tpu.memory_space<vmem>> -> memref<8x1024xf32, #tpu.memory_space<vmem>>
    %dma_wait3A_251 = arith.constant 0 : i32
    %dma_wait3A_252 = arith.constant 0 : i32
    %dma_wait3A_253 = tpu.memref_slice %arg4[%dma_wait3A_246, %dma_wait3A_251, %dma_wait3A_247, %dma_wait3A_252] : memref<200x8x32x1024xf32, #tpu.memory_space<hbm>> -> memref<1x8x1x1024xf32, #tpu.memory_space<hbm>>
    %dma_wait3A_254 = tpu.memref_squeeze %dma_wait3A_253 : memref<1x8x1x1024xf32, #tpu.memory_space<hbm>> -> memref<8x1024xf32, #tpu.memory_space<hbm>>
    %dma_wait3A_255 = arith.constant 0 : i32
    %dma_wait3A_256 = arith.constant 0 : i32
    %dma_wait3A_257 = tpu.memref_slice %arg4[%dma_wait3A_246, %dma_wait3A_255, %dma_wait3A_247, %dma_wait3A_256] : memref<200x8x32x1024xf32, #tpu.memory_space<hbm>> -> memref<1x8x1x1024xf32, #tpu.memory_space<hbm>>
    %dma_wait3A_258 = tpu.memref_squeeze %dma_wait3A_257 : memref<1x8x1x1024xf32, #tpu.memory_space<hbm>> -> memref<8x1024xf32, #tpu.memory_space<hbm>>
    %dma_wait3A_259 = arith.constant 0 : i32
    %dma_wait3A_260 = arith.constant 0 : i32
    %dma_wait3A_261 = tpu.memref_slice %arg9[%dma_wait3A_259, %dma_wait3A_260] : memref<16x1024xf32, #tpu.memory_space<vmem>> -> memref<8x1024xf32, #tpu.memory_space<vmem>>
    tpu.wait_dma2 semaphore(%arg15 : memref<!tpu.dma_semaphore, #tpu.memory_space<semaphore_mem>>) src(%dma_wait3A_261 : memref<8x1024xf32, #tpu.memory_space<vmem>>) dst(%dma_wait3A_258 : memref<8x1024xf32, #tpu.memory_space<hbm>>)
    %parallel_loop3A_262 = arith.constant 0 : i32
    %parallel_loop3A_263 = arith.constant 1024 : i32
    %parallel_loop3A_264 = arith.constant 1 : i32
    scf.for %parallel_loop3A_534 = %parallel_loop3A_262 to %parallel_loop3A_263 step %parallel_loop3A_264  : i32 {
      %parallel_loop3A_535 = arith.constant 15 : i32
      %parallel_loop3A_536 = arith.andi %parallel_loop3A_534, %parallel_loop3A_535 : i32
      %parallel_loop3A_537 = arith.constant 4 : i32
      %parallel_loop3A_538 = arith.shrsi %parallel_loop3A_534, %parallel_loop3A_537 : i32
      %parallel_loop3A_539 = arith.constant 15 : i32
      %parallel_loop3A_540 = arith.andi %parallel_loop3A_538, %parallel_loop3A_539 : i32
      %parallel_loop3A_541 = arith.constant 8 : i32
      %parallel_loop3A_542 = arith.shrsi %parallel_loop3A_534, %parallel_loop3A_541 : i32
      %parallel_loop3A_543 = vector.broadcast %parallel_loop3A_536 : i32 to vector<16xi32>
      %parallel_loop3A_544 = arith.addi %iota3A, %parallel_loop3A_543 : vector<16xi32>
      %parallel_loop3A_545 = arith.constant 15 : i32
      %parallel_loop3A_546 = vector.broadcast %parallel_loop3A_545 : i32 to vector<16xi32>
      %parallel_loop3A_547 = arith.andi %parallel_loop3A_544, %parallel_loop3A_546 : vector<16xi32>
      %parallel_loop3A_548 = arith.constant 16 : i32
      %parallel_loop3A_549 = arith.muli %parallel_loop3A_540, %parallel_loop3A_548 : i32
      %parallel_loop3A_550 = vector.broadcast %parallel_loop3A_549 : i32 to vector<16xi32>
      %parallel_loop3A_551 = arith.addi %parallel_loop3A_550, %parallel_loop3A_547 : vector<16xi32>
      %parallel_loop3A_552 = arith.constant 16 : i32
      %parallel_loop3A_553 = arith.muli %parallel_loop3A_542, %parallel_loop3A_552 : i32
      %parallel_loop3A_554 = vector.broadcast %parallel_loop3A_553 : i32 to vector<16xi32>
      %parallel_loop3A_555 = arith.addi %parallel_loop3A_554, %iota3A : vector<16xi32>
      %parallel_loop3A_556 = tpu.vector_load_idx %arg7[%parallel_loop3A_551, %parallel_loop3A_555] : memref<256x64xf32, #tpu.memory_space<vmem>>[vector<16xi32>, vector<16xi32>], vector<16xf32>,
      %parallel_loop3A_557 = arith.constant 3 : i32
      %parallel_loop3A_558 = arith.shrsi %parallel_loop3A_540, %parallel_loop3A_557 : i32
      %parallel_loop3A_559 = arith.constant 8 : i32
      %parallel_loop3A_560 = arith.muli %parallel_loop3A_558, %parallel_loop3A_559 : i32
      %parallel_loop3A_561 = arith.constant 2 : i32
      %parallel_loop3A_562 = arith.muli %parallel_loop3A_542, %parallel_loop3A_561 : i32
      %parallel_loop3A_563 = arith.addi %parallel_loop3A_560, %parallel_loop3A_562 : i32
      %parallel_loop3A_564 = vector.broadcast %parallel_loop3A_563 : i32 to vector<16xi32>
      %parallel_loop3A_565 = arith.addi %parallel_loop3A_564, %shift_right_arithmetic3A_10 : vector<16xi32>
      %parallel_loop3A_566 = arith.constant 7 : i32
      %parallel_loop3A_567 = arith.andi %parallel_loop3A_540, %parallel_loop3A_566 : i32
      %parallel_loop3A_568 = arith.constant 16 : i32
      %parallel_loop3A_569 = arith.muli %parallel_loop3A_567, %parallel_loop3A_568 : i32
      %parallel_loop3A_570 = vector.broadcast %parallel_loop3A_569 : i32 to vector<16xi32>
      %parallel_loop3A_571 = arith.addi %parallel_loop3A_570, %parallel_loop3A_547 : vector<16xi32>
      %parallel_loop3A_572 = arith.addi %shift_left3A_8, %parallel_loop3A_571 : vector<16xi32>
      tpu.vector_store_idx %arg9[%parallel_loop3A_565, %parallel_loop3A_572], %parallel_loop3A_556 : memref<16x1024xf32, #tpu.memory_space<vmem>>[vector<16xi32>, vector<16xi32>], vector<16xf32>,
    } {sc.loop_unroll_factor = 4 : i64, sc.parallel_access}
    %mul3A_265 = arith.constant 100 : i32
    %mul3A_266 = arith.muli %add3A, %mul3A_265 : i32
    %add3A_267 = arith.constant 98 : i32
    %add3A_268 = arith.addi %mul3A_266, %add3A_267 : i32
    %jit3A_269 = arith.constant 16 : i32
    %div3A_270 = arith.divsi %add3A_268, %jit3A_269 : i32
    %sign3A_271 = arith.constant 0 : i32
    %sign3A_272 = arith.cmpi sgt, %add3A_268, %sign3A_271 : i32
    %sign3A_273 = arith.extui %sign3A_272 : i1 to i32
    %sign3A_274 = arith.constant 0 : i32
    %sign3A_275 = arith.cmpi slt, %add3A_268, %sign3A_274 : i32
    %sign3A_276 = arith.extui %sign3A_275 : i1 to i32
    %sign3A_277 = arith.subi %sign3A_273, %sign3A_276 : i32
    %sign3A_278 = arith.constant 0 : i32
    %sign3A_279 = arith.cmpi sgt, %jit3A_269, %sign3A_278 : i32
    %sign3A_280 = arith.extui %sign3A_279 : i1 to i32
    %sign3A_281 = arith.constant 0 : i32
    %sign3A_282 = arith.cmpi slt, %jit3A_269, %sign3A_281 : i32
    %sign3A_283 = arith.extui %sign3A_282 : i1 to i32
    %sign3A_284 = arith.subi %sign3A_280, %sign3A_283 : i32
    %ne3A_285 = arith.cmpi ne, %sign3A_277, %sign3A_284 : i32
    %rem3A_286 = arith.remsi %add3A_268, %jit3A_269 : i32
    %ne3A_287 = arith.constant 0 : i32
    %ne3A_288 = arith.cmpi ne, %rem3A_286, %ne3A_287 : i32
    %and3A_289 = arith.andi %ne3A_285, %ne3A_288 : i1
    %sub3A_290 = arith.constant 1 : i32
    %sub3A_291 = arith.subi %div3A_270, %sub3A_290 : i32
    %select_n3A_292 = arith.select %and3A_289, %sub3A_291, %div3A_270 : i32
    %jit3A_293 = arith.constant 16 : i32
    %eq3A_294 = arith.constant 0 : i32
    %eq3A_295 = arith.cmpi eq, %jit3A_293, %eq3A_294 : i32
    %jit3A_296 = arith.constant 1 : i32
    %select_n3A_297 = arith.select %eq3A_295, %jit3A_296, %jit3A_293 : i32
    %rem3A_298 = arith.remsi %add3A_268, %select_n3A_297 : i32
    %ne3A_299 = arith.constant 0 : i32
    %ne3A_300 = arith.cmpi ne, %rem3A_298, %ne3A_299 : i32
    %lt3A_301 = arith.constant 0 : i32
    %lt3A_302 = arith.cmpi slt, %rem3A_298, %lt3A_301 : i32
    %lt3A_303 = arith.constant 0 : i32
    %lt3A_304 = arith.cmpi slt, %select_n3A_297, %lt3A_303 : i32
    %ne3A_305 = arith.xori %lt3A_302, %lt3A_304 : i1
    %and3A_306 = arith.andi %ne3A_305, %ne3A_300 : i1
    %add3A_307 = arith.addi %rem3A_298, %select_n3A_297 : i32
    %select_n3A_308 = arith.select %and3A_306, %add3A_307, %rem3A_298 : i32
    %mul3A_309 = arith.constant 2 : i32
    %mul3A_310 = arith.muli %mul3A_309, %select_n3A_308 : i32
    %add3A_311 = arith.constant 0 : i32
    %add3A_312 = arith.addi %mul3A_310, %add3A_311 : i32
    %dma_start3A_313 = arith.constant 0 : i32
    %dma_start3A_314 = arith.constant 0 : i32
    %dma_start3A_315 = tpu.memref_slice %arg9[%dma_start3A_313, %dma_start3A_314] : memref<16x1024xf32, #tpu.memory_space<vmem>> -> memref<8x1024xf32, #tpu.memory_space<vmem>>
    %dma_start3A_316 = arith.constant 0 : i32
    %dma_start3A_317 = arith.constant 0 : i32
    %dma_start3A_318 = tpu.memref_slice %arg4[%select_n3A_292, %dma_start3A_316, %add3A_312, %dma_start3A_317] : memref<200x8x32x1024xf32, #tpu.memory_space<hbm>> -> memref<1x8x1x1024xf32, #tpu.memory_space<hbm>>
    %dma_start3A_319 = tpu.memref_squeeze %dma_start3A_318 : memref<1x8x1x1024xf32, #tpu.memory_space<hbm>> -> memref<8x1024xf32, #tpu.memory_space<hbm>>
    %dma_start3A_320 = arith.constant 0 : i32
    %dma_start3A_321 = arith.constant 0 : i32
    %dma_start3A_322 = tpu.memref_slice %arg4[%select_n3A_292, %dma_start3A_320, %add3A_312, %dma_start3A_321] : memref<200x8x32x1024xf32, #tpu.memory_space<hbm>> -> memref<1x8x1x1024xf32, #tpu.memory_space<hbm>>
    %dma_start3A_323 = tpu.memref_squeeze %dma_start3A_322 : memref<1x8x1x1024xf32, #tpu.memory_space<hbm>> -> memref<8x1024xf32, #tpu.memory_space<hbm>>
    %dma_start3A_324 = arith.constant 0 : i32
    %dma_start3A_325 = arith.constant 0 : i32
    %dma_start3A_326 = tpu.memref_slice %arg9[%dma_start3A_324, %dma_start3A_325] : memref<16x1024xf32, #tpu.memory_space<vmem>> -> memref<8x1024xf32, #tpu.memory_space<vmem>>
    tpu.enqueue_dma source(%dma_start3A_326 : memref<8x1024xf32, #tpu.memory_space<vmem>>) target(%dma_start3A_323 : memref<8x1024xf32, #tpu.memory_space<hbm>>) target_semaphore(%arg15 : memref<!tpu.dma_semaphore, #tpu.memory_space<semaphore_mem>>)
    %mul3A_327 = arith.constant 2 : i32
    %mul3A_328 = arith.muli %mul3A_327, %select_n3A_308 : i32
    %add3A_329 = arith.constant 1 : i32
    %add3A_330 = arith.addi %mul3A_328, %add3A_329 : i32
    %dma_start3A_331 = arith.constant 8 : i32
    %dma_start3A_332 = arith.constant 0 : i32
    %dma_start3A_333 = tpu.memref_slice %arg9[%dma_start3A_331, %dma_start3A_332] : memref<16x1024xf32, #tpu.memory_space<vmem>> -> memref<8x1024xf32, #tpu.memory_space<vmem>>
    %dma_start3A_334 = arith.constant 0 : i32
    %dma_start3A_335 = arith.constant 0 : i32
    %dma_start3A_336 = tpu.memref_slice %arg4[%select_n3A_292, %dma_start3A_334, %add3A_330, %dma_start3A_335] : memref<200x8x32x1024xf32, #tpu.memory_space<hbm>> -> memref<1x8x1x1024xf32, #tpu.memory_space<hbm>>
    %dma_start3A_337 = tpu.memref_squeeze %dma_start3A_336 : memref<1x8x1x1024xf32, #tpu.memory_space<hbm>> -> memref<8x1024xf32, #tpu.memory_space<hbm>>
    %dma_start3A_338 = arith.constant 0 : i32
    %dma_start3A_339 = arith.constant 0 : i32
    %dma_start3A_340 = tpu.memref_slice %arg4[%select_n3A_292, %dma_start3A_338, %add3A_330, %dma_start3A_339] : memref<200x8x32x1024xf32, #tpu.memory_space<hbm>> -> memref<1x8x1x1024xf32, #tpu.memory_space<hbm>>
    %dma_start3A_341 = tpu.memref_squeeze %dma_start3A_340 : memref<1x8x1x1024xf32, #tpu.memory_space<hbm>> -> memref<8x1024xf32, #tpu.memory_space<hbm>>
    %dma_start3A_342 = arith.constant 8 : i32
    %dma_start3A_343 = arith.constant 0 : i32
    %dma_start3A_344 = tpu.memref_slice %arg9[%dma_start3A_342, %dma_start3A_343] : memref<16x1024xf32, #tpu.memory_space<vmem>> -> memref<8x1024xf32, #tpu.memory_space<vmem>>
    tpu.enqueue_dma source(%dma_start3A_344 : memref<8x1024xf32, #tpu.memory_space<vmem>>) target(%dma_start3A_341 : memref<8x1024xf32, #tpu.memory_space<hbm>>) target_semaphore(%arg15 : memref<!tpu.dma_semaphore, #tpu.memory_space<semaphore_mem>>)
    %dma_wait3A_345 = arith.constant 0 : i32
    %dma_wait3A_346 = arith.constant 0 : i32
    %dma_wait3A_347 = arith.constant 0 : i32
    %dma_wait3A_348 = arith.constant 0 : i32
    %dma_wait3A_349 = tpu.memref_slice %arg4[%dma_wait3A_345, %dma_wait3A_346, %dma_wait3A_347, %dma_wait3A_348] : memref<200x8x32x1024xf32, #tpu.memory_space<hbm>> -> memref<1x1x16x1024xf32, #tpu.memory_space<hbm>>
    %dma_wait3A_350 = tpu.memref_squeeze %dma_wait3A_349 : memref<1x1x16x1024xf32, #tpu.memory_space<hbm>> -> memref<16x1024xf32, #tpu.memory_space<hbm>>
    %dma_wait3A_351 = arith.constant 0 : i32
    %dma_wait3A_352 = arith.constant 0 : i32
    %dma_wait3A_353 = tpu.memref_slice %arg4[%dma_wait3A_345, %dma_wait3A_346, %dma_wait3A_351, %dma_wait3A_352] : memref<200x8x32x1024xf32, #tpu.memory_space<hbm>> -> memref<1x1x16x1024xf32, #tpu.memory_space<hbm>>
    %dma_wait3A_354 = tpu.memref_squeeze %dma_wait3A_353 : memref<1x1x16x1024xf32, #tpu.memory_space<hbm>> -> memref<16x1024xf32, #tpu.memory_space<hbm>>
    tpu.wait_dma2 semaphore(%arg14 : memref<!tpu.dma_semaphore, #tpu.memory_space<semaphore_mem>>) src(%dma_wait3A_354 : memref<16x1024xf32, #tpu.memory_space<hbm>>) dst(%arg8 : memref<256x64xf32, #tpu.memory_space<vmem>>)
    %dma_wait3A_355 = arith.constant 0 : i32
    %dma_wait3A_356 = arith.constant 0 : i32
    %dma_wait3A_357 = arith.constant 0 : i32
    %dma_wait3A_358 = arith.constant 0 : i32
    %dma_wait3A_359 = tpu.memref_slice %arg10[%dma_wait3A_357, %dma_wait3A_358] : memref<16x1024xf32, #tpu.memory_space<vmem>> -> memref<8x1024xf32, #tpu.memory_space<vmem>>
    %dma_wait3A_360 = arith.constant 0 : i32
    %dma_wait3A_361 = arith.constant 0 : i32
    %dma_wait3A_362 = tpu.memref_slice %arg4[%dma_wait3A_355, %dma_wait3A_360, %dma_wait3A_356, %dma_wait3A_361] : memref<200x8x32x1024xf32, #tpu.memory_space<hbm>> -> memref<1x8x1x1024xf32, #tpu.memory_space<hbm>>
    %dma_wait3A_363 = tpu.memref_squeeze %dma_wait3A_362 : memref<1x8x1x1024xf32, #tpu.memory_space<hbm>> -> memref<8x1024xf32, #tpu.memory_space<hbm>>
    %dma_wait3A_364 = arith.constant 0 : i32
    %dma_wait3A_365 = arith.constant 0 : i32
    %dma_wait3A_366 = tpu.memref_slice %arg4[%dma_wait3A_355, %dma_wait3A_364, %dma_wait3A_356, %dma_wait3A_365] : memref<200x8x32x1024xf32, #tpu.memory_space<hbm>> -> memref<1x8x1x1024xf32, #tpu.memory_space<hbm>>
    %dma_wait3A_367 = tpu.memref_squeeze %dma_wait3A_366 : memref<1x8x1x1024xf32, #tpu.memory_space<hbm>> -> memref<8x1024xf32, #tpu.memory_space<hbm>>
    %dma_wait3A_368 = arith.constant 0 : i32
    %dma_wait3A_369 = arith.constant 0 : i32
    %dma_wait3A_370 = tpu.memref_slice %arg10[%dma_wait3A_368, %dma_wait3A_369] : memref<16x1024xf32, #tpu.memory_space<vmem>> -> memref<8x1024xf32, #tpu.memory_space<vmem>>
    tpu.wait_dma2 semaphore(%arg16 : memref<!tpu.dma_semaphore, #tpu.memory_space<semaphore_mem>>) src(%dma_wait3A_370 : memref<8x1024xf32, #tpu.memory_space<vmem>>) dst(%dma_wait3A_367 : memref<8x1024xf32, #tpu.memory_space<hbm>>)
    %dma_wait3A_371 = arith.constant 0 : i32
    %dma_wait3A_372 = arith.constant 0 : i32
    %dma_wait3A_373 = arith.constant 0 : i32
    %dma_wait3A_374 = arith.constant 0 : i32
    %dma_wait3A_375 = tpu.memref_slice %arg10[%dma_wait3A_373, %dma_wait3A_374] : memref<16x1024xf32, #tpu.memory_space<vmem>> -> memref<8x1024xf32, #tpu.memory_space<vmem>>
    %dma_wait3A_376 = arith.constant 0 : i32
    %dma_wait3A_377 = arith.constant 0 : i32
    %dma_wait3A_378 = tpu.memref_slice %arg4[%dma_wait3A_371, %dma_wait3A_376, %dma_wait3A_372, %dma_wait3A_377] : memref<200x8x32x1024xf32, #tpu.memory_space<hbm>> -> memref<1x8x1x1024xf32, #tpu.memory_space<hbm>>
    %dma_wait3A_379 = tpu.memref_squeeze %dma_wait3A_378 : memref<1x8x1x1024xf32, #tpu.memory_space<hbm>> -> memref<8x1024xf32, #tpu.memory_space<hbm>>
    %dma_wait3A_380 = arith.constant 0 : i32
    %dma_wait3A_381 = arith.constant 0 : i32
    %dma_wait3A_382 = tpu.memref_slice %arg4[%dma_wait3A_371, %dma_wait3A_380, %dma_wait3A_372, %dma_wait3A_381] : memref<200x8x32x1024xf32, #tpu.memory_space<hbm>> -> memref<1x8x1x1024xf32, #tpu.memory_space<hbm>>
    %dma_wait3A_383 = tpu.memref_squeeze %dma_wait3A_382 : memref<1x8x1x1024xf32, #tpu.memory_space<hbm>> -> memref<8x1024xf32, #tpu.memory_space<hbm>>
    %dma_wait3A_384 = arith.constant 0 : i32
    %dma_wait3A_385 = arith.constant 0 : i32
    %dma_wait3A_386 = tpu.memref_slice %arg10[%dma_wait3A_384, %dma_wait3A_385] : memref<16x1024xf32, #tpu.memory_space<vmem>> -> memref<8x1024xf32, #tpu.memory_space<vmem>>
    tpu.wait_dma2 semaphore(%arg16 : memref<!tpu.dma_semaphore, #tpu.memory_space<semaphore_mem>>) src(%dma_wait3A_386 : memref<8x1024xf32, #tpu.memory_space<vmem>>) dst(%dma_wait3A_383 : memref<8x1024xf32, #tpu.memory_space<hbm>>)
    %parallel_loop3A_387 = arith.constant 0 : i32
    %parallel_loop3A_388 = arith.constant 1024 : i32
    %parallel_loop3A_389 = arith.constant 1 : i32
    scf.for %parallel_loop3A_534 = %parallel_loop3A_387 to %parallel_loop3A_388 step %parallel_loop3A_389  : i32 {
      %parallel_loop3A_535 = arith.constant 15 : i32
      %parallel_loop3A_536 = arith.andi %parallel_loop3A_534, %parallel_loop3A_535 : i32
      %parallel_loop3A_537 = arith.constant 4 : i32
      %parallel_loop3A_538 = arith.shrsi %parallel_loop3A_534, %parallel_loop3A_537 : i32
      %parallel_loop3A_539 = arith.constant 15 : i32
      %parallel_loop3A_540 = arith.andi %parallel_loop3A_538, %parallel_loop3A_539 : i32
      %parallel_loop3A_541 = arith.constant 8 : i32
      %parallel_loop3A_542 = arith.shrsi %parallel_loop3A_534, %parallel_loop3A_541 : i32
      %parallel_loop3A_543 = vector.broadcast %parallel_loop3A_536 : i32 to vector<16xi32>
      %parallel_loop3A_544 = arith.addi %iota3A, %parallel_loop3A_543 : vector<16xi32>
      %parallel_loop3A_545 = arith.constant 15 : i32
      %parallel_loop3A_546 = vector.broadcast %parallel_loop3A_545 : i32 to vector<16xi32>
      %parallel_loop3A_547 = arith.andi %parallel_loop3A_544, %parallel_loop3A_546 : vector<16xi32>
      %parallel_loop3A_548 = arith.constant 16 : i32
      %parallel_loop3A_549 = arith.muli %parallel_loop3A_540, %parallel_loop3A_548 : i32
      %parallel_loop3A_550 = vector.broadcast %parallel_loop3A_549 : i32 to vector<16xi32>
      %parallel_loop3A_551 = arith.addi %parallel_loop3A_550, %parallel_loop3A_547 : vector<16xi32>
      %parallel_loop3A_552 = arith.constant 16 : i32
      %parallel_loop3A_553 = arith.muli %parallel_loop3A_542, %parallel_loop3A_552 : i32
      %parallel_loop3A_554 = vector.broadcast %parallel_loop3A_553 : i32 to vector<16xi32>
      %parallel_loop3A_555 = arith.addi %parallel_loop3A_554, %iota3A : vector<16xi32>
      %parallel_loop3A_556 = tpu.vector_load_idx %arg8[%parallel_loop3A_551, %parallel_loop3A_555] : memref<256x64xf32, #tpu.memory_space<vmem>>[vector<16xi32>, vector<16xi32>], vector<16xf32>,
      %parallel_loop3A_557 = arith.constant 3 : i32
      %parallel_loop3A_558 = arith.shrsi %parallel_loop3A_540, %parallel_loop3A_557 : i32
      %parallel_loop3A_559 = arith.constant 8 : i32
      %parallel_loop3A_560 = arith.muli %parallel_loop3A_558, %parallel_loop3A_559 : i32
      %parallel_loop3A_561 = arith.constant 2 : i32
      %parallel_loop3A_562 = arith.muli %parallel_loop3A_542, %parallel_loop3A_561 : i32
      %parallel_loop3A_563 = arith.addi %parallel_loop3A_560, %parallel_loop3A_562 : i32
      %parallel_loop3A_564 = vector.broadcast %parallel_loop3A_563 : i32 to vector<16xi32>
      %parallel_loop3A_565 = arith.addi %parallel_loop3A_564, %shift_right_arithmetic3A_10 : vector<16xi32>
      %parallel_loop3A_566 = arith.constant 7 : i32
      %parallel_loop3A_567 = arith.andi %parallel_loop3A_540, %parallel_loop3A_566 : i32
      %parallel_loop3A_568 = arith.constant 16 : i32
      %parallel_loop3A_569 = arith.muli %parallel_loop3A_567, %parallel_loop3A_568 : i32
      %parallel_loop3A_570 = vector.broadcast %parallel_loop3A_569 : i32 to vector<16xi32>
      %parallel_loop3A_571 = arith.addi %parallel_loop3A_570, %parallel_loop3A_547 : vector<16xi32>
      %parallel_loop3A_572 = arith.addi %shift_left3A_8, %parallel_loop3A_571 : vector<16xi32>
      tpu.vector_store_idx %arg10[%parallel_loop3A_565, %parallel_loop3A_572], %parallel_loop3A_556 : memref<16x1024xf32, #tpu.memory_space<vmem>>[vector<16xi32>, vector<16xi32>], vector<16xf32>,
    } {sc.loop_unroll_factor = 4 : i64, sc.parallel_access}
    %mul3A_390 = arith.constant 100 : i32
    %mul3A_391 = arith.muli %add3A, %mul3A_390 : i32
    %add3A_392 = arith.constant 99 : i32
    %add3A_393 = arith.addi %mul3A_391, %add3A_392 : i32
    %jit3A_394 = arith.constant 16 : i32
    %div3A_395 = arith.divsi %add3A_393, %jit3A_394 : i32
    %sign3A_396 = arith.constant 0 : i32
    %sign3A_397 = arith.cmpi sgt, %add3A_393, %sign3A_396 : i32
    %sign3A_398 = arith.extui %sign3A_397 : i1 to i32
    %sign3A_399 = arith.constant 0 : i32
    %sign3A_400 = arith.cmpi slt, %add3A_393, %sign3A_399 : i32
    %sign3A_401 = arith.extui %sign3A_400 : i1 to i32
    %sign3A_402 = arith.subi %sign3A_398, %sign3A_401 : i32
    %sign3A_403 = arith.constant 0 : i32
    %sign3A_404 = arith.cmpi sgt, %jit3A_394, %sign3A_403 : i32
    %sign3A_405 = arith.extui %sign3A_404 : i1 to i32
    %sign3A_406 = arith.constant 0 : i32
    %sign3A_407 = arith.cmpi slt, %jit3A_394, %sign3A_406 : i32
    %sign3A_408 = arith.extui %sign3A_407 : i1 to i32
    %sign3A_409 = arith.subi %sign3A_405, %sign3A_408 : i32
    %ne3A_410 = arith.cmpi ne, %sign3A_402, %sign3A_409 : i32
    %rem3A_411 = arith.remsi %add3A_393, %jit3A_394 : i32
    %ne3A_412 = arith.constant 0 : i32
    %ne3A_413 = arith.cmpi ne, %rem3A_411, %ne3A_412 : i32
    %and3A_414 = arith.andi %ne3A_410, %ne3A_413 : i1
    %sub3A_415 = arith.constant 1 : i32
    %sub3A_416 = arith.subi %div3A_395, %sub3A_415 : i32
    %select_n3A_417 = arith.select %and3A_414, %sub3A_416, %div3A_395 : i32
    %jit3A_418 = arith.constant 16 : i32
    %eq3A_419 = arith.constant 0 : i32
    %eq3A_420 = arith.cmpi eq, %jit3A_418, %eq3A_419 : i32
    %jit3A_421 = arith.constant 1 : i32
    %select_n3A_422 = arith.select %eq3A_420, %jit3A_421, %jit3A_418 : i32
    %rem3A_423 = arith.remsi %add3A_393, %select_n3A_422 : i32
    %ne3A_424 = arith.constant 0 : i32
    %ne3A_425 = arith.cmpi ne, %rem3A_423, %ne3A_424 : i32
    %lt3A_426 = arith.constant 0 : i32
    %lt3A_427 = arith.cmpi slt, %rem3A_423, %lt3A_426 : i32
    %lt3A_428 = arith.constant 0 : i32
    %lt3A_429 = arith.cmpi slt, %select_n3A_422, %lt3A_428 : i32
    %ne3A_430 = arith.xori %lt3A_427, %lt3A_429 : i1
    %and3A_431 = arith.andi %ne3A_430, %ne3A_425 : i1
    %add3A_432 = arith.addi %rem3A_423, %select_n3A_422 : i32
    %select_n3A_433 = arith.select %and3A_431, %add3A_432, %rem3A_423 : i32
    %mul3A_434 = arith.constant 2 : i32
    %mul3A_435 = arith.muli %mul3A_434, %select_n3A_433 : i32
    %add3A_436 = arith.constant 0 : i32
    %add3A_437 = arith.addi %mul3A_435, %add3A_436 : i32
    %dma_start3A_438 = arith.constant 0 : i32
    %dma_start3A_439 = arith.constant 0 : i32
    %dma_start3A_440 = tpu.memref_slice %arg10[%dma_start3A_438, %dma_start3A_439] : memref<16x1024xf32, #tpu.memory_space<vmem>> -> memref<8x1024xf32, #tpu.memory_space<vmem>>
    %dma_start3A_441 = arith.constant 0 : i32
    %dma_start3A_442 = arith.constant 0 : i32
    %dma_start3A_443 = tpu.memref_slice %arg4[%select_n3A_417, %dma_start3A_441, %add3A_437, %dma_start3A_442] : memref<200x8x32x1024xf32, #tpu.memory_space<hbm>> -> memref<1x8x1x1024xf32, #tpu.memory_space<hbm>>
    %dma_start3A_444 = tpu.memref_squeeze %dma_start3A_443 : memref<1x8x1x1024xf32, #tpu.memory_space<hbm>> -> memref<8x1024xf32, #tpu.memory_space<hbm>>
    %dma_start3A_445 = arith.constant 0 : i32
    %dma_start3A_446 = arith.constant 0 : i32
    %dma_start3A_447 = tpu.memref_slice %arg4[%select_n3A_417, %dma_start3A_445, %add3A_437, %dma_start3A_446] : memref<200x8x32x1024xf32, #tpu.memory_space<hbm>> -> memref<1x8x1x1024xf32, #tpu.memory_space<hbm>>
    %dma_start3A_448 = tpu.memref_squeeze %dma_start3A_447 : memref<1x8x1x1024xf32, #tpu.memory_space<hbm>> -> memref<8x1024xf32, #tpu.memory_space<hbm>>
    %dma_start3A_449 = arith.constant 0 : i32
    %dma_start3A_450 = arith.constant 0 : i32
    %dma_start3A_451 = tpu.memref_slice %arg10[%dma_start3A_449, %dma_start3A_450] : memref<16x1024xf32, #tpu.memory_space<vmem>> -> memref<8x1024xf32, #tpu.memory_space<vmem>>
    tpu.enqueue_dma source(%dma_start3A_451 : memref<8x1024xf32, #tpu.memory_space<vmem>>) target(%dma_start3A_448 : memref<8x1024xf32, #tpu.memory_space<hbm>>) target_semaphore(%arg16 : memref<!tpu.dma_semaphore, #tpu.memory_space<semaphore_mem>>)
    %mul3A_452 = arith.constant 2 : i32
    %mul3A_453 = arith.muli %mul3A_452, %select_n3A_433 : i32
    %add3A_454 = arith.constant 1 : i32
    %add3A_455 = arith.addi %mul3A_453, %add3A_454 : i32
    %dma_start3A_456 = arith.constant 8 : i32
    %dma_start3A_457 = arith.constant 0 : i32
    %dma_start3A_458 = tpu.memref_slice %arg10[%dma_start3A_456, %dma_start3A_457] : memref<16x1024xf32, #tpu.memory_space<vmem>> -> memref<8x1024xf32, #tpu.memory_space<vmem>>
    %dma_start3A_459 = arith.constant 0 : i32
    %dma_start3A_460 = arith.constant 0 : i32
    %dma_start3A_461 = tpu.memref_slice %arg4[%select_n3A_417, %dma_start3A_459, %add3A_455, %dma_start3A_460] : memref<200x8x32x1024xf32, #tpu.memory_space<hbm>> -> memref<1x8x1x1024xf32, #tpu.memory_space<hbm>>
    %dma_start3A_462 = tpu.memref_squeeze %dma_start3A_461 : memref<1x8x1x1024xf32, #tpu.memory_space<hbm>> -> memref<8x1024xf32, #tpu.memory_space<hbm>>
    %dma_start3A_463 = arith.constant 0 : i32
    %dma_start3A_464 = arith.constant 0 : i32
    %dma_start3A_465 = tpu.memref_slice %arg4[%select_n3A_417, %dma_start3A_463, %add3A_455, %dma_start3A_464] : memref<200x8x32x1024xf32, #tpu.memory_space<hbm>> -> memref<1x8x1x1024xf32, #tpu.memory_space<hbm>>
    %dma_start3A_466 = tpu.memref_squeeze %dma_start3A_465 : memref<1x8x1x1024xf32, #tpu.memory_space<hbm>> -> memref<8x1024xf32, #tpu.memory_space<hbm>>
    %dma_start3A_467 = arith.constant 8 : i32
    %dma_start3A_468 = arith.constant 0 : i32
    %dma_start3A_469 = tpu.memref_slice %arg10[%dma_start3A_467, %dma_start3A_468] : memref<16x1024xf32, #tpu.memory_space<vmem>> -> memref<8x1024xf32, #tpu.memory_space<vmem>>
    tpu.enqueue_dma source(%dma_start3A_469 : memref<8x1024xf32, #tpu.memory_space<vmem>>) target(%dma_start3A_466 : memref<8x1024xf32, #tpu.memory_space<hbm>>) target_semaphore(%arg16 : memref<!tpu.dma_semaphore, #tpu.memory_space<semaphore_mem>>)
    %dma_wait3A_470 = arith.constant 0 : i32
    %dma_wait3A_471 = arith.constant 0 : i32
    %dma_wait3A_472 = arith.constant 0 : i32
    %dma_wait3A_473 = arith.constant 0 : i32
    %dma_wait3A_474 = tpu.memref_slice %arg9[%dma_wait3A_472, %dma_wait3A_473] : memref<16x1024xf32, #tpu.memory_space<vmem>> -> memref<8x1024xf32, #tpu.memory_space<vmem>>
    %dma_wait3A_475 = arith.constant 0 : i32
    %dma_wait3A_476 = arith.constant 0 : i32
    %dma_wait3A_477 = tpu.memref_slice %arg4[%dma_wait3A_470, %dma_wait3A_475, %dma_wait3A_471, %dma_wait3A_476] : memref<200x8x32x1024xf32, #tpu.memory_space<hbm>> -> memref<1x8x1x1024xf32, #tpu.memory_space<hbm>>
    %dma_wait3A_478 = tpu.memref_squeeze %dma_wait3A_477 : memref<1x8x1x1024xf32, #tpu.memory_space<hbm>> -> memref<8x1024xf32, #tpu.memory_space<hbm>>
    %dma_wait3A_479 = arith.constant 0 : i32
    %dma_wait3A_480 = arith.constant 0 : i32
    %dma_wait3A_481 = tpu.memref_slice %arg4[%dma_wait3A_470, %dma_wait3A_479, %dma_wait3A_471, %dma_wait3A_480] : memref<200x8x32x1024xf32, #tpu.memory_space<hbm>> -> memref<1x8x1x1024xf32, #tpu.memory_space<hbm>>
    %dma_wait3A_482 = tpu.memref_squeeze %dma_wait3A_481 : memref<1x8x1x1024xf32, #tpu.memory_space<hbm>> -> memref<8x1024xf32, #tpu.memory_space<hbm>>
    %dma_wait3A_483 = arith.constant 0 : i32
    %dma_wait3A_484 = arith.constant 0 : i32
    %dma_wait3A_485 = tpu.memref_slice %arg9[%dma_wait3A_483, %dma_wait3A_484] : memref<16x1024xf32, #tpu.memory_space<vmem>> -> memref<8x1024xf32, #tpu.memory_space<vmem>>
    tpu.wait_dma2 semaphore(%arg15 : memref<!tpu.dma_semaphore, #tpu.memory_space<semaphore_mem>>) src(%dma_wait3A_485 : memref<8x1024xf32, #tpu.memory_space<vmem>>) dst(%dma_wait3A_482 : memref<8x1024xf32, #tpu.memory_space<hbm>>)
    %dma_wait3A_486 = arith.constant 0 : i32
    %dma_wait3A_487 = arith.constant 0 : i32
    %dma_wait3A_488 = arith.constant 0 : i32
    %dma_wait3A_489 = arith.constant 0 : i32
    %dma_wait3A_490 = tpu.memref_slice %arg9[%dma_wait3A_488, %dma_wait3A_489] : memref<16x1024xf32, #tpu.memory_space<vmem>> -> memref<8x1024xf32, #tpu.memory_space<vmem>>
    %dma_wait3A_491 = arith.constant 0 : i32
    %dma_wait3A_492 = arith.constant 0 : i32
    %dma_wait3A_493 = tpu.memref_slice %arg4[%dma_wait3A_486, %dma_wait3A_491, %dma_wait3A_487, %dma_wait3A_492] : memref<200x8x32x1024xf32, #tpu.memory_space<hbm>> -> memref<1x8x1x1024xf32, #tpu.memory_space<hbm>>
    %dma_wait3A_494 = tpu.memref_squeeze %dma_wait3A_493 : memref<1x8x1x1024xf32, #tpu.memory_space<hbm>> -> memref<8x1024xf32, #tpu.memory_space<hbm>>
    %dma_wait3A_495 = arith.constant 0 : i32
    %dma_wait3A_496 = arith.constant 0 : i32
    %dma_wait3A_497 = tpu.memref_slice %arg4[%dma_wait3A_486, %dma_wait3A_495, %dma_wait3A_487, %dma_wait3A_496] : memref<200x8x32x1024xf32, #tpu.memory_space<hbm>> -> memref<1x8x1x1024xf32, #tpu.memory_space<hbm>>
    %dma_wait3A_498 = tpu.memref_squeeze %dma_wait3A_497 : memref<1x8x1x1024xf32, #tpu.memory_space<hbm>> -> memref<8x1024xf32, #tpu.memory_space<hbm>>
    %dma_wait3A_499 = arith.constant 0 : i32
    %dma_wait3A_500 = arith.constant 0 : i32
    %dma_wait3A_501 = tpu.memref_slice %arg9[%dma_wait3A_499, %dma_wait3A_500] : memref<16x1024xf32, #tpu.memory_space<vmem>> -> memref<8x1024xf32, #tpu.memory_space<vmem>>
    tpu.wait_dma2 semaphore(%arg15 : memref<!tpu.dma_semaphore, #tpu.memory_space<semaphore_mem>>) src(%dma_wait3A_501 : memref<8x1024xf32, #tpu.memory_space<vmem>>) dst(%dma_wait3A_498 : memref<8x1024xf32, #tpu.memory_space<hbm>>)
    %dma_wait3A_502 = arith.constant 0 : i32
    %dma_wait3A_503 = arith.constant 0 : i32
    %dma_wait3A_504 = arith.constant 0 : i32
    %dma_wait3A_505 = arith.constant 0 : i32
    %dma_wait3A_506 = tpu.memref_slice %arg10[%dma_wait3A_504, %dma_wait3A_505] : memref<16x1024xf32, #tpu.memory_space<vmem>> -> memref<8x1024xf32, #tpu.memory_space<vmem>>
    %dma_wait3A_507 = arith.constant 0 : i32
    %dma_wait3A_508 = arith.constant 0 : i32
    %dma_wait3A_509 = tpu.memref_slice %arg4[%dma_wait3A_502, %dma_wait3A_507, %dma_wait3A_503, %dma_wait3A_508] : memref<200x8x32x1024xf32, #tpu.memory_space<hbm>> -> memref<1x8x1x1024xf32, #tpu.memory_space<hbm>>
    %dma_wait3A_510 = tpu.memref_squeeze %dma_wait3A_509 : memref<1x8x1x1024xf32, #tpu.memory_space<hbm>> -> memref<8x1024xf32, #tpu.memory_space<hbm>>
    %dma_wait3A_511 = arith.constant 0 : i32
    %dma_wait3A_512 = arith.constant 0 : i32
    %dma_wait3A_513 = tpu.memref_slice %arg4[%dma_wait3A_502, %dma_wait3A_511, %dma_wait3A_503, %dma_wait3A_512] : memref<200x8x32x1024xf32, #tpu.memory_space<hbm>> -> memref<1x8x1x1024xf32, #tpu.memory_space<hbm>>
    %dma_wait3A_514 = tpu.memref_squeeze %dma_wait3A_513 : memref<1x8x1x1024xf32, #tpu.memory_space<hbm>> -> memref<8x1024xf32, #tpu.memory_space<hbm>>
    %dma_wait3A_515 = arith.constant 0 : i32
    %dma_wait3A_516 = arith.constant 0 : i32
    %dma_wait3A_517 = tpu.memref_slice %arg10[%dma_wait3A_515, %dma_wait3A_516] : memref<16x1024xf32, #tpu.memory_space<vmem>> -> memref<8x1024xf32, #tpu.memory_space<vmem>>
    tpu.wait_dma2 semaphore(%arg16 : memref<!tpu.dma_semaphore, #tpu.memory_space<semaphore_mem>>) src(%dma_wait3A_517 : memref<8x1024xf32, #tpu.memory_space<vmem>>) dst(%dma_wait3A_514 : memref<8x1024xf32, #tpu.memory_space<hbm>>)
    %dma_wait3A_518 = arith.constant 0 : i32
    %dma_wait3A_519 = arith.constant 0 : i32
    %dma_wait3A_520 = arith.constant 0 : i32
    %dma_wait3A_521 = arith.constant 0 : i32
    %dma_wait3A_522 = tpu.memref_slice %arg10[%dma_wait3A_520, %dma_wait3A_521] : memref<16x1024xf32, #tpu.memory_space<vmem>> -> memref<8x1024xf32, #tpu.memory_space<vmem>>
    %dma_wait3A_523 = arith.constant 0 : i32
    %dma_wait3A_524 = arith.constant 0 : i32
    %dma_wait3A_525 = tpu.memref_slice %arg4[%dma_wait3A_518, %dma_wait3A_523, %dma_wait3A_519, %dma_wait3A_524] : memref<200x8x32x1024xf32, #tpu.memory_space<hbm>> -> memref<1x8x1x1024xf32, #tpu.memory_space<hbm>>
    %dma_wait3A_526 = tpu.memref_squeeze %dma_wait3A_525 : memref<1x8x1x1024xf32, #tpu.memory_space<hbm>> -> memref<8x1024xf32, #tpu.memory_space<hbm>>
    %dma_wait3A_527 = arith.constant 0 : i32
    %dma_wait3A_528 = arith.constant 0 : i32
    %dma_wait3A_529 = tpu.memref_slice %arg4[%dma_wait3A_518, %dma_wait3A_527, %dma_wait3A_519, %dma_wait3A_528] : memref<200x8x32x1024xf32, #tpu.memory_space<hbm>> -> memref<1x8x1x1024xf32, #tpu.memory_space<hbm>>
    %dma_wait3A_530 = tpu.memref_squeeze %dma_wait3A_529 : memref<1x8x1x1024xf32, #tpu.memory_space<hbm>> -> memref<8x1024xf32, #tpu.memory_space<hbm>>
    %dma_wait3A_531 = arith.constant 0 : i32
    %dma_wait3A_532 = arith.constant 0 : i32
    %dma_wait3A_533 = tpu.memref_slice %arg10[%dma_wait3A_531, %dma_wait3A_532] : memref<16x1024xf32, #tpu.memory_space<vmem>> -> memref<8x1024xf32, #tpu.memory_space<vmem>>
    tpu.wait_dma2 semaphore(%arg16 : memref<!tpu.dma_semaphore, #tpu.memory_space<semaphore_mem>>) src(%dma_wait3A_533 : memref<8x1024xf32, #tpu.memory_space<vmem>>) dst(%dma_wait3A_530 : memref<8x1024xf32, #tpu.memory_space<hbm>>)
    return
  }
}

</mosaic_0001>

<sc_bundles>
// kernel: _embed.3.cloned.1.call-start
scs
__scs_entry_jumppad:
0x0: {  	(pc) =	sbr.rel $0x88, $3  }
0x1: {  	(tag) =	ssettag $0x0;
	lr =	simm.s32 $0x1  }
0x2: {  	[smem:$0x3F9F] =	sst lr;
	_ =	strace $0xD0000000  }
0x3: {  	_ = 	snop  }
0x4: {  	_ = 	snop  }
0x5: {  	_ = 	snop  }
0x6: {  	_ = 	snop  }
0x7: {  	_ = 	snop  }
__scs_overlays_trampoline_lowered:
0x8: {  	[smem:$0x3FAE] =	sst s0  }
0x9: {  	[smem:$0x3FAF] =	sst s1  }
0xa: {  	[smem:$0x3FB0] =	sst s2  }
0xb: {  	[smem:$0x3FB1] =	sst s3  }
0xc: {  	[smem:$0x3FB2] =	sst s4  }
0xd: {  	[smem:$0x3FB3] =	sst s5  }
0xe: {  	[smem:$0x3FB4] =	sst s6  }
0xf: {  	[smem:$0x3FB5] =	sst s7  }
0x10: {  	[smem:$0x3FB6] =	sst s8  }
0x11: {  	[smem:$0x3FB7] =	sst s9;
	s0 =	simm.s32 @!p0 $0x0  }
0x12: {  	s1 =	sld [smem:$0x3F9D];
	s0 =	simm.s32 @p0 $0x1  }
0x13: {  	[smem:$0x3FB8] =	sst s0;
	s0 =	simm.s32 @!p1 $0x0  }
0x14: {  	s2 =	sld [smem:$0x3F9C];
	s0 =	simm.s32 @p1 $0x1  }
0x15: {  	[smem:$0x3FB9] =	sst s0;
	s0 =	simm.s32 @!p2 $0x0  }
0x16: {  	s3 =	sld [smem:$0x3FDB];
	s0 =	simm.s32 @p2 $0x1  }
0x17: {  	s4 =	simm.s32 $0x1BF5;
	[smem:$0x3FBB] =	sst s0  }
0x18: {  	s0 =	sld [smem:$0x3F9E];
	_ =	swait.ge [sflag:s4], $0x0  }
0x19: {  	s7 =	sld [smem:$0x3F9F]  }
0x1a: {  	s8 =	sadd.s32 $0xFFFFE003, lr  }
0x1b: {  	s9 =	sadd.s32 $0xFFFFFEF7, lr;
	s5 =	simm.s32 $0xFFFFFFFF;
	p2 =	slt.u32 s8, $0xFFFFF086  }
0x1c: {  	p1 =	slt.u32 s9, $0xF7A;
	s5 =	simm.s32 @!p2 $0x0  }
0x1d: {  	s5 =	simm.s32 @p1 $0x1;
	p0 =	seq.s32 s7, s2  }
0x1e: {  	s7 =	smul.u32 @!p0 $0xF7A, s2;
	p2 =	seq.s32 @!p0 s5, $0x0  }
0x1f: {  	s9 =	smul.u32 $0xF7A, s1;
	s8 =	simm.s32 @!p0 $0x1BF5;
	p2 =	por !p2, p0  }
0x20: {  	[sflag:s8] =	ssyncset.s32 @!p0 $0xFFFFF086;
	s6 =	sadd.s32 @!p0 s3, s7;
	s7 =	simm.s32 @!p0 $0x108  }
0x21: {  	s3 =	sadd.s32 s3, s9;
	s6 =	sadd.s32 @!p0 $0x88, s6;
	s7 =	simm.s32 @p2 $0x1082  }
0x22: {  	[simem:s7], [sflag:s8] =	dma.local @!p0 [hbm:s6], $0xF7A  }
0x23: {  	s9 =	sor.u32 $0xD0000000, s2;
	s6 =	simm.s32 $0x108;
	_ =	swait.ge @!p0 [sflag:s8], $0x0  }
0x24: {  	s3 =	sadd.s32 $0x88, s3;
	s6 =	simm.s32 @!p1 $0x1082;
	[sflag:s4] =	ssyncset.s32 $0xFFFFF086  }
0x25: {  	[simem:s6], [sflag:s4] =	dma.local [hbm:s3], $0xF7A  }
0x26: {  	[smem:$0x3F9F] =	sst s1;
	(tag) =	ssettag s2;
	_ =	strace s9  }
0x27: {  	s1 =	sld [smem:$0x3FAF]  }
0x28: {  	s2 =	sld [smem:$0x3FB0]  }
0x29: {  	s4 =	sld [smem:$0x3FB2]  }
0x2a: {  	p0 =	seq.s32 s5, $0x0;
	s5 =	sld [smem:$0x3FB3]  }
0x2b: {  	s6 =	sld [smem:$0x3FB4]  }
0x2c: {  	s7 =	sld [smem:$0x3FB5]  }
0x2d: {  	s3 =	simm.s32 $0x108;
	s8 =	sld [smem:$0x3FB6]  }
0x2e: {  	s3 =	simm.s32 @!p0 $0x1082;
	s9 =	sld [smem:$0x3FB7]  }
0x2f: {  	lr =	sadd.s32 s0, s3;
	s0 =	sld [smem:$0x3FAE]  }
0x30: {  	s3 =	sld [smem:$0x3FB1]  }
0x31: {  	[smem:$0x3FBA] =	sst s10  }
0x32: {  	s10 =	sld [smem:$0x3FB8];
	_ =	sdelay $0x3  }
0x33: {  	p0 =	seq.s32 s10, $0x1;
	s10 =	sld [smem:$0x3FBA];
	_ =	sdelay $0x3  }
0x34: {  	[smem:$0x3FBA] =	sst s10  }
0x35: {  	s10 =	sld [smem:$0x3FB9];
	_ =	sdelay $0x3  }
0x36: {  	p1 =	seq.s32 s10, $0x1;
	s10 =	sld [smem:$0x3FBA];
	_ =	sdelay $0x3  }
0x37: {  	[smem:$0x3FBA] =	sst s10  }
0x38: {  	s10 =	sld [smem:$0x3FBB]  }
0x39: {  	_ = 	snop;
	(pc) =	sbr.ind lr, $3  }
0x3a: {  	_ = 	snop  }
0x3b: {  	_ = 	snop  }
0x3c: {  	p2 =	seq.s32 s10, $0x1;
	s10 =	sld [smem:$0x3FBA]  }
0x3d: {  	_ =	shalt  }
0x3e: {  	_ =	shalt  }
0x3f: {  	_ =	shalt  }
0x40: {  	_ =	shalt  }
0x41: {  	_ =	shalt  }
0x42: {  	_ =	shalt  }
0x43: {  	_ =	shalt  }
0x44: {  	_ =	shalt  }
0x45: {  	_ =	shalt  }
0x46: {  	_ =	shalt  }
0x47: {  	_ =	shalt  }
0x48: {  	_ =	shalt  }
0x49: {  	_ =	shalt  }
0x4a: {  	_ =	shalt  }
0x4b: {  	_ =	shalt  }
0x4c: {  	_ =	shalt  }
0x4d: {  	_ =	shalt  }
0x4e: {  	_ =	shalt  }
0x4f: {  	_ =	shalt  }
0x50: {  	_ =	shalt  }
0x51: {  	_ =	shalt  }
0x52: {  	_ =	shalt  }
0x53: {  	_ =	shalt  }
0x54: {  	_ =	shalt  }
0x55: {  	_ =	shalt  }
0x56: {  	_ =	shalt  }
0x57: {  	_ =	shalt  }
0x58: {  	_ =	shalt  }
0x59: {  	_ =	shalt  }
0x5a: {  	_ =	shalt  }
0x5b: {  	_ =	shalt  }
0x5c: {  	_ =	shalt  }
0x5d: {  	_ =	shalt  }
0x5e: {  	_ =	shalt  }
0x5f: {  	_ =	shalt  }
0x60: {  	_ =	shalt  }
0x61: {  	_ =	shalt  }
0x62: {  	_ =	shalt  }
0x63: {  	_ =	shalt  }
0x64: {  	_ =	shalt  }
0x65: {  	_ =	shalt  }
0x66: {  	_ =	shalt  }
0x67: {  	_ =	shalt  }
0x68: {  	_ =	shalt  }
0x69: {  	_ =	shalt  }
0x6a: {  	_ =	shalt  }
0x6b: {  	_ =	shalt  }
0x6c: {  	_ =	shalt  }
0x6d: {  	_ =	shalt  }
0x6e: {  	_ =	shalt  }
0x6f: {  	_ =	shalt  }
0x70: {  	_ =	shalt  }
0x71: {  	_ =	shalt  }
0x72: {  	_ =	shalt  }
0x73: {  	_ =	shalt  }
0x74: {  	_ =	shalt  }
0x75: {  	_ =	shalt  }
0x76: {  	_ =	shalt  }
0x77: {  	_ =	shalt  }
0x78: {  	_ =	shalt  }
0x79: {  	_ =	shalt  }
0x7a: {  	_ =	shalt  }
0x7b: {  	_ =	shalt  }
0x7c: {  	_ =	shalt  }
0x7d: {  	_ =	shalt  }
0x7e: {  	_ =	shalt  }
0x7f: {  	_ =	shalt  }
0x80: {  	_ =	shalt  }
0x81: {  	_ =	shalt  }
0x82: {  	_ =	shalt  }
0x83: {  	_ =	shalt  }
0x84: {  	_ =	shalt  }
0x85: {  	_ =	shalt  }
0x86: {  	_ =	shalt  }
0x87: {  	_ =	shalt  }
.Lfunc_end0:
.L_simem_size_0:
called_computation_lowered:
.L_overlay_start_0:
0x88: {  	s2 =	sld [smem:$0x3FD9]  }
0x89: {  	s3 =	sld [smem:$0x3FFE];
	_ =	sdelay $0x1  }
0x8a: {  	s1 =	srdreg.scid  }
0x8b: {  	s0 =	sand.u32 $0x1, s1  }
0x8c: {  	s17 =	sshll.u32 s0, $0xA;
	s2 =	sadd.s32 s3, s2  }
0x8d: {  	s2 =	sadd.s32 s2, s17  }
0x8e: {  	[smem:$0x3FC6] =	sst s2  }
0x8f: {  	_ = 	snop  }
0x90: {  	s2 =	sld [smem:$0x3FC9];
	(tm) =	ssettm $0x1  }
0x91: {  	s18 =	sld [smem:$0x3FFB];
	_ =	sdelay $0x3  }
0x92: {  	_ =	strace s18  }
0x93: {  	s3 =	sld [smem:$0x3FFC];
	_ =	sdelay $0x3  }
0x94: {  	_ =	strace s3  }
0x95: {  	s3 =	sld [smem:$0x3FFD];
	_ =	sdelay $0x3  }
0x96: {  	_ =	strace s3  }
0x97: {  	_ =	strace $0x8FFFFFFF  }
0x98: {  	s19 =	sld [smem:$0x3FDB];
	_ =	sdelay $0x1  }
0x99: {  	s4 =	simm.s32 $_scs_section_size  }
0x9a: {  	s5 =	simm.s32 $_size__tile_overlayer_lowered;
	s6 =	simm.s32 $_tile_overlayer_lowered  }
0x9b: {  	s22 =	simm.s32 $0x1BFF;
	s21 =	sshll.u32 s6, $0x1;
	s3 =	sadd.s32 s4, s19  }
0x9c: {  	s7 =	simm.s32 $0x0;
	s20 =	sshll.u32 s5, $0x1;
	s5 =	sadd.s32 s21, s3  }
0x9d: {  	[timem:s7], [sflag:s22] =	dma.local [hbm:s5], s20  }
0x9e: {  	_ =	swait.ge [sflag:s22], s20  }
0x9f: {  	s4 =	ssub.s32 $0x0, s20;
	[sflag:s22] =	ssyncset.done $0x0  }
0xa0: {  	[sflag:s22] =	ssyncadd.s32 s4;
	_ =	sdelay $0x1  }
0xa1: {  	s23 =	simm.s32 $0x1B8B  }
0xa2: {  	_ =	swait.ge [sflag:s23], $0x1  }
0xa3: {  	[sflag:s23] =	ssyncset.done $0x0  }
0xa4: {  	s25 =	simm.s32 $0x1B8E;
	s24 =	sld [smem:$0x3FFE];
	[sflag:s23] =	ssyncadd.s32 $0xFFFFFFFF  }
0xa5: {  	s26 =	simm.s32 $execute0_lowered;
	[smem:$0x3FD2] =	sst s25  }
0xa6: {  	s5 =	sshll.u32 s26, $0x1;
	_ =	strace $0x80000046;
	[dreg:$0x1] =	wrdreg $0xFFFFFFFF  }
0xa7: {  	s28 =	simm.s32 $_size_execute0_lowered;
	s3 =	sadd.s32 s3, s5;
	[dreg:$0x0] =	wrdreg $0x0  }
0xa8: {  	s5 =	sshll.u32 s28, $0x1;
	[dreg:$0x2] =	wrdreg s3  }
0xa9: {  	[dreg:$0x3] =	wrdreg s5  }
0xaa: {  	[dreg:$0x4] =	wrdreg $0xC0  }
0xab: {  	_ =	task [dreg:s7], $0x5FFFF  }
0xac: {  	[dreg:$0x1] =	wrdreg $0xFFFFFFFF  }
0xad: {  	[dreg:$0x0] =	wrdreg $0x60  }
0xae: {  	[dreg:$0x2] =	wrdreg s2  }
0xaf: {  	[dreg:$0x3] =	wrdreg s24  }
0xb0: {  	[dreg:$0x4] =	wrdreg $0x9  }
0xb1: {  	_ =	task.clear_ibuf [dreg:s7], $0x5FFFF;
	_ =	strace $0x90000046  }
0xb2: {  	s29 =	simm.s32 $0x9;
	_ =	strace $0x80000048  }
0xb3: {  	_ =	swait.ge [sflag:s29], $0x1  }
0xb4: {  	[sflag:s29] =	ssyncadd.s32 $0xFFFFFFFF  }
0xb5: {  	_ =	strace $0x90000048  }
0xb6: {  	_ =	sfence  }
0xb7: {  	s30 =	sld [smem:$0x0];
	_ =	sdelay $0x2  }
0xb8: {  	s31 =	sshll.u32 s1, $0xD;
	s1 =	sshrl.u32 s1, $0x2  }
0xb9: {  	s3 =	sand.u32 $0x4000, s31;
	s1 =	sadd.s32 s1, s30  }
0xba: {  	s0 =	sor.u32 s3, s0;
	s1 =	sshll.u32 s1, $0x11  }
0xbb: {  	s0 =	sor.u32 s1, s0  }
0xbc: {  	s0 =	sadd.s32 $0x8F2B, s0  }
0xbd: {  	[sflag:s0] =	ssyncadd.remote.s32 $0x1  }
0xbe: {  	_ =	sfence.sel $0xFFFF  }
0xbf: {  	[dreg:$0x0] =	wrdreg $0xFFFFFFFF;
	(pc) =	sbr.abs _section_cstart, $3  }
0xc0: {  	[dreg:$0x1] =	wrdreg $0xFFFFFFFF  }
0xc1: {  	_ =	task.clear_ibuf [dreg:s7], $0x2FFFF;
	_ =	strace $0x9FFFFFFF  }
0xc2: {  	(tm) =	ssettm $0x7FFFFFFF  }
0xc3: {  	_ =	shalt  }
tec
execute0_lowered:
.L_overlay_start_1:
0x0: {  	(tag) =	ssettag $0x1  }
0x1: {  	s2 =	rddreg [dreg:$0x0]  }
0x2: {  	s0 =	rddreg [dreg:$0x1]  }
0x3: {  	s1 =	srdreg.scid;
	s4 =	stileid.u32  }
0x4: {  	s3 =	simm.s32 $0x0;
	s28 =	simm.s32 $0x4200;
	s29 =	simm.s32 $0x8200  }
0x5: {  	s30 =	simm.s32 $0x400;
	s1 =	sand.u32 $0x1, s1;
	s4 =	sshll.u32 s4, $0x1  }
0x6: {  	s31 =	simm.s32 $0x8000;
	s13 =	simm.s32 $0x6;
	s7 =	sor.u32 s1, s4  }
0x7: {  	[smem:$0x7FF] =	sst s3;
	s5 =	sadd.s32 $0x400, s0;
	s8 =	smul.u32 $0x6400, s7  }
0x8: {  	_ =	strace $0x80000047;
	s14 =	ssub.s32 $0x2, s1;
	s6 =	smul.u32 $0x190000, s7  }
0x9: {  	s15 =	sshll.u32 s7, $0xD;
	s9 =	sshrl.u32 s14, $0x1;
	s7 =	smul.u32 $0x64, s7  }
0xa: {  	s4 =	sadd.s32 $0xF84C00, s0;
	s0 =	ssub.s32 s14, s9;
	s14 =	simm.s32 $0x0  }
0xb: {  	s10 =	sshrl.u32 s8, $0x3;
	s1 =	sor.u32 s6, s15;
	s19 =	sadd.s32 $0x62, s7  }
0xc: {  	s11 =	sadd.s32 $0x63, s7;
	s15 =	sor.u32 $0x200, s8;
	s0 =	smax.u32 s0, $0x1  }
0xd: {  	s16 =	sadd.s32 s2, s10;
	s1 =	sand.u32 $0x3FC6000, s1;
	s21 =	sshll.u32 s19, $0xB  }
0xe: {  	s12 =	sshll.u32 s11, $0xB;
	s11 =	sshll.u32 s11, $0x8;
	[dreg:$0xe] =	wrdreg s0  }
0xf: {  	s0 =	simm.s32 $0xA200;
	s17 =	sadd.s32 $0x20, s16;
	s1 =	sshrl.u32 s1, $0x3  }
0x10: {  	s18 =	sadd.s32 $0x40, s16;
	[dreg:$0x3] =	wrdreg s16;
	s6 =	sadd.s32 $0x60, s16  }
0x11: {  	s9 =	sand.u32 $0xFF8000, s21;
	s12 =	sand.u32 $0xFF8000, s12;
	[dreg:$0x4] =	wrdreg s17  }
0x12: {  	s11 =	sand.u32 $0xF00, s11;
	[dreg:$0x5] =	wrdreg s18;
	s10 =	sadd.s32 s5, s1  }
0x13: {  	[dreg:$0x7] =	wrdreg s6;
	s1 =	sshll.u32 s19, $0x8;
	s24 =	sor.u32 s11, s12  }
0x14: {  	s18 =	sor.u32 $0x300, s8;
	s8 =	simm.s32 $0x1;
	s20 =	sadd.s32 $0x80, s10  }
0x15: {  	s11 =	simm.s32 $0xE200;
	s22 =	sadd.s32 $0x100, s10;
	[dreg:$0x6] =	wrdreg s20  }
0x16: {  	s12 =	simm.s32 $0x5;
	s23 =	sadd.s32 $0x180, s10;
	[dreg:$0x8] =	wrdreg s22  }
0x17: {  	s1 =	sand.u32 $0xE00, s1;
	s25 =	sadd.s32 s5, s24;
	[dreg:$0x9] =	wrdreg s23  }
0x18: {  	s24 =	simm.s32 $0x200;
	s1 =	sor.u32 s1, s9;
	[dreg:$0xb] =	wrdreg s25  }
0x19: {  	v0 =	vlaneseq.u32;
	s26 =	sadd.s32 $0x80, s25;
	s22 =	simm.s32 $0x7;
	s23 =	simm.s32 $0x100  }
0x1a: {  	v4 =	vshrl.u32 v0, $0x3;
	s25 =	simm.s32 $0x3;
	s1 =	sadd.s32 s5, s1;
	[dreg:$0xd] =	wrdreg s26  }
0x1b: {  	v1 =	vand.u32 $0x7, v0;
	v2 =	vmul.u32 $0x8, v4;
	v4 =	vmul.u32 $0x400, v4;
	s9 =	simm.s32 $0xC200;
	[dreg:$0xa] =	wrdreg s1;
	s1 =	sadd.s32 $0x80, s1  }
0x1c: {  	v3 =	vmul.u32 $0x80, v1;
	s26 =	simm.s32 $0x2;
	[dreg:$0xc] =	wrdreg s1;
	s1 =	simm.s32 $0x4  }
.LBB2_1:
0x1d: {  	s6 =	rddreg [dreg:$0x3]  }
0x1e: {  	[tilespmem:s3], [sflag:$0x7] =	stream.linear.gather [hbm4b:s6+s3], $0x100, $0x38;
	[tilespmem:$0x10200] =	vst v63  }
0x1f: {  	s19 =	simm.s32 $0x0;
	_ =	swait.ge [sflag:s22], $0x100  }
0x20: {  	s20 =	sand.u32 $0xC, s19;
	s17 =	sand.u32 $0xF0, s19;
	[sflag:s22] =	ssyncset.done $0x0  }
0x21: {  	s21 =	sor.u32 $0x1, s20;
	v5 =	vadd.s32 s20, v0;
	s16 =	rddreg [dreg:$0x4];
	[sflag:s22] =	ssyncadd.s32 $0xFFFFFF00  }
0x22: {  	v6 =	vadd.s32 s21, v0;
	v5 =	vand.u32 $0xF, v5;
	[tilespmem:s23], [sflag:$0x2] =	stream.linear.gather [hbm4b:s16+s3], $0x100, $0x38;
	[tilespmem:$0x10200] =	vst v63  }
0x23: {  	s21 =	simm.s32 $0x0;
	v6 =	vand.u32 $0xF, v6;
	v13 =	vor.u32 s17, v5;
	s16 =	sor.u32 $0x2, s20;
	s20 =	sor.u32 $0x3, s20  }
0x24: {  	v11 =	vor.u32 s21, v2;
	v9 =	vor.u32 s17, v6;
	v13 =	vshll.u32 v13, $0x6;
	[tilespmem:s24], [sflag:$0x3] =	stream.indirect.gather [hbm4b:s4+s23], $0x40, s3, s23, $0xb8;
	[tilespmem:$0x10200] =	vst v63  }
0x25: {  	v7 =	vadd.s32 s16, v0;
	v8 =	vadd.s32 s20, v0;
	v9 =	vshll.u32 v9, $0x6;
	_ =	swait.ge [sflag:s25], $0x4000  }
0x26: {  	s6 =	simm.s32 $0x0;
	v13 =	vadd.s32 v11, v13;
	v7 =	vand.u32 $0xF, v7;
	v8 =	vand.u32 $0xF, v8;
	[sflag:s25] =	ssyncset.done $0x0  }
0x27: {  	s16 =	sand.u32 $0x8, s6;
	s20 =	sand.u32 $0x70, s19;
	v9 =	vadd.s32 v11, v9;
	v10 =	vor.u32 s17, v8;
	v12 =	vor.u32 s17, v7;
	[sflag:s25] =	ssyncadd.s32 $0xFFFFC000  }
0x28: {  	s19 =	simm.s32 $0x4;
	s16 =	sadd.s32 $0x0, s16;
	v13 =	vor.u32 v1, v13;
	v10 =	vshll.u32 v10, $0x6;
	v12 =	vshll.u32 v12, $0x6;
	_ =	swait.ge [sflag:s26], $0x100  }
0x29: {  	s21 =	sand.u32 $0xC, s19;
	v10 =	vadd.s32 v11, v10;
	v11 =	vadd.s32 v11, v12;
	v12 =	vmov s16;
	[sflag:s26] =	ssyncset.done $0x0  }
0x2a: {  	v9 =	vor.u32 v1, v9;
	s16 =	sor.u32 $0x3, s21;
	v10 =	vor.u32 v1, v10;
	v12 =	vshll.u32 v12, $0xA;
	[sflag:s26] =	ssyncadd.s32 $0xFFFFFF00  }
0x2b: {  	v15 =	vor.u32 v1, v11;
	v11 =	vor.u32 s20, v3;
	v18 =	vadd.s32 s16, v0;
	[tilespmem:s28], [sflag:$0x4] =	stream.indirect.gather [hbm4b:s4+s23], $0x40, s23, s23, $0xb8;
	[tilespmem:$0x10200] =	vst v63  }
0x2c: {  	s17 =	rddreg [dreg:$0x5];
	v12 =	vor.u32 v4, v12;
	v6 =	vor.u32 v6, v11;
	v8 =	vor.u32 v8, v11  }
0x2d: {  	v5 =	vor.u32 v5, v11;
	v16 =	vor.u32 v7, v11;
	v7 =	vadd.s32 s21, v0;
	[tilespmem:s3], [sflag:$0x1] =	stream.linear.gather [hbm4b:s17+s3], $0x100, $0x38;
	[tilespmem:$0x10200] =	vst v63  }
0x2e: {  	s6 =	sor.u32 $0x1, s21;
	v11 =	vor.u32 v12, v8;
	v17 =	vor.u32 v12, v5;
	v14 =	vor.u32 v12, v6;
	s17 =	sor.u32 $0x2, s21  }
0x2f: {  	v5 =	vadd.s32 s6, v0;
	v7 =	vand.u32 $0xF, v7;
	v10 =	vld.idx.msk [tilespmem:v10+s24+$0x0], $0xffff;
	v8 =	vadd.s32 s17, v0  }
0x30: {  	s6 =	sand.u32 $0xF0, s19;
	v6 =	vand.u32 $0xF, v5;
	v5 =	vand.u32 $0xF, v8;
	v8 =	vand.u32 $0xF, v18  }
0x31: {  	v22 =	vor.u32 s6, v7;
	s17 =	simm.s32 $0x0;
	v18 =	vld.idx.msk [tilespmem:v9+s24+$0x0], $0xffff;
	v19 =	vor.u32 s6, v8  }
0x32: {  	v22 =	vshll.u32 v22, $0x6;
	v20 =	vor.u32 s17, v2;
	v19 =	vshll.u32 v19, $0x6  }
0x33: {  	v21 =	vld.idx.msk [tilespmem:v13+s24+$0x0], $0xffff;
	v9 =	vor.u32 s6, v6;
	v13 =	vor.u32 s6, v5;
	v19 =	vadd.s32 v20, v19  }
0x34: {  	s20 =	simm.s32 $0x0;
	v9 =	vshll.u32 v9, $0x6;
	[tilespmem:v11+s29+$0x0] =	vst.idx.msk $0xffff, v10;
	v10 =	vshll.u32 v13, $0x6;
	v13 =	vor.u32 v1, v19  }
0x35: {  	s16 =	sand.u32 $0x8, s20;
	v11 =	vadd.s32 v20, v22;
	v19 =	vadd.s32 v20, v9  }
0x36: {  	s16 =	sadd.s32 $0x0, s16;
	v10 =	vadd.s32 v20, v10;
	[tilespmem:v14+s29+$0x0] =	vst.idx.msk $0xffff, v18;
	v14 =	vor.u32 v1, v19  }
0x37: {  	s21 =	sand.u32 $0x70, s19;
	v9 =	vor.u32 v1, v11;
	v18 =	vmov s16;
	v11 =	vor.u32 v1, v10  }
0x38: {  	v12 =	vor.u32 v12, v16;
	[tilespmem:v17+s29+$0x0] =	vst.idx.msk $0xffff, v21;
	v10 =	vld.idx.msk [tilespmem:v15+s24+$0x0], $0xffff;
	v16 =	vshll.u32 v18, $0xA;
	v15 =	vor.u32 s21, v3  }
.LBB2_2:
0x39: {  	s19 =	sadd.s32 $0x4, s19;
	v16 =	vor.u32 v4, v16;
	v6 =	vor.u32 v6, v15;
	v13 =	vld.idx.msk [tilespmem:v13+s24+$0x0], $0xffff;
	v8 =	vor.u32 v8, v15  }
0x3a: {  	v7 =	vor.u32 v7, v15;
	v15 =	vor.u32 v5, v15;
	s16 =	sand.u32 $0xC, s19;
	p0 =	slt.u32 s19, $0x3FC;
	v17 =	vor.u32 v16, v8  }
0x3b: {  	v19 =	vor.u32 v16, v7;
	v20 =	vor.u32 v16, v6;
	v18 =	vadd.s32 s16, v0;
	s20 =	sor.u32 $0x1, s16;
	s21 =	sor.u32 $0x2, s16;
	s16 =	sor.u32 $0x3, s16;
	v14 =	vld.idx.msk [tilespmem:v14+s24+$0x0], $0xffff  }
0x3c: {  	v5 =	vadd.s32 s20, v0;
	v7 =	vadd.s32 s21, v0;
	v8 =	vadd.s32 s16, v0;
	v11 =	vld.idx.msk [tilespmem:v11+s24+$0x0], $0xffff  }
0x3d: {  	s16 =	sshrl.u32 s19, $0x8;
	s20 =	sand.u32 $0xF0, s19;
	v6 =	vand.u32 $0xF, v5;
	v5 =	vand.u32 $0xF, v7;
	v8 =	vand.u32 $0xF, v8;
	v21 =	vld.idx.msk [tilespmem:v9+s24+$0x0], $0xffff;
	[tilespmem:v12+s29+$0x0] =	vst.idx.msk $0xffff, v10  }
0x3e: {  	v7 =	vand.u32 $0xF, v18;
	s21 =	sshll.u32 s16, $0x4;
	v9 =	vor.u32 s20, v6;
	v10 =	vor.u32 s20, v8  }
0x3f: {  	v12 =	vor.u32 s21, v2;
	v18 =	vor.u32 s20, v5;
	v10 =	vshll.u32 v10, $0x6;
	[tilespmem:v17+s29+$0x0] =	vst.idx.msk $0xffff, v13  }
0x40: {  	v13 =	vor.u32 s20, v7;
	v9 =	vshll.u32 v9, $0x6;
	v22 =	vadd.s32 v12, v10  }
.Ltmp0:
0x41: {  	s20 =	sshrl.u32 s19, $0x4;
	v18 =	vshll.u32 v18, $0x6;
	v17 =	vshll.u32 v13, $0x6;
	v13 =	vor.u32 v1, v22;
	[tilespmem:v20+s29+$0x0] =	vst.idx.msk $0xffff, v14;
	(pc) =	sbr.rel @p0 .LBB2_2-.Ltmp0, $4  }
0x42: {  	s16 =	sshll.u32 s16, $0x1;
	s20 =	sand.u32 $0x8, s20;
	v14 =	vadd.s32 v12, v17;
	v17 =	vadd.s32 v12, v9;
	v12 =	vadd.s32 v12, v18;
	v10 =	vmovc v11  }
0x43: {  	s16 =	sadd.s32 s16, s20;
	v9 =	vor.u32 v1, v14;
	v14 =	vor.u32 v1, v17;
	v11 =	vor.u32 v1, v12  }
0x44: {  	v17 =	vmov s16;
	s16 =	sand.u32 $0x70, s19;
	v12 =	vor.u32 v16, v15;
	[tilespmem:v19+s29+$0x0] =	vst.idx.msk $0xffff, v21  }
0x45: {  	v16 =	vshll.u32 v17, $0xA;
	v15 =	vor.u32 s16, v3  }
0x46: {  	_ =	sdelay $0x2  }
0x47: {  	v16 =	vor.u32 v4, v16;
	v8 =	vor.u32 v8, v15  }
0x48: {  	v6 =	vor.u32 v6, v15;
	v13 =	vld.idx.msk [tilespmem:v13+s24+$0x0], $0xffff;
	v8 =	vor.u32 v16, v8  }
0x49: {  	v7 =	vor.u32 v7, v15;
	v14 =	vld.idx.msk [tilespmem:v14+s24+$0x0], $0xffff;
	v6 =	vor.u32 v16, v6  }
0x4a: {  	v5 =	vor.u32 v5, v15;
	v9 =	vld.idx.msk [tilespmem:v9+s24+$0x0], $0xffff;
	v7 =	vor.u32 v16, v7  }
0x4b: {  	v11 =	vld.idx.msk [tilespmem:v11+s24+$0x0], $0xffff;
	v5 =	vor.u32 v16, v5  }
0x4c: {  	[tilespmem:v12+s29+$0x0] =	vst.idx.msk $0xffff, v10  }
0x4d: {  	s16 =	simm.s32 $0x0;
	[tilespmem:v8+s29+$0x0] =	vst.idx.msk $0xffff, v13  }
0x4e: {  	s19 =	sand.u32 $0xC, s16;
	[tilespmem:v6+s29+$0x0] =	vst.idx.msk $0xffff, v14  }
0x4f: {  	s20 =	sor.u32 $0x1, s19;
	[tilespmem:v7+s29+$0x0] =	vst.idx.msk $0xffff, v9  }
0x50: {  	s21 =	sor.u32 $0x2, s19;
	[tilespmem:v5+s29+$0x0] =	vst.idx.msk $0xffff, v11;
	v5 =	vadd.s32 s19, v0;
	s19 =	sor.u32 $0x3, s19;
	v6 =	vadd.s32 s20, v0  }
0x51: {  	v7 =	vadd.s32 s21, v0;
	[hbm4b:s10+s30] =	stream.strided.scatter [tilespmem:s29], [sflag:$0x5], $0x2000, s31, s30, $0x38;
	v8 =	vadd.s32 s19, v0;
	v6 =	vand.u32 $0xF, v6;
	[tilespmem:$0x10200] =	vst v63  }
0x52: {  	s21 =	sand.u32 $0xF0, s16;
	s6 =	rddreg [dreg:$0x6];
	v7 =	vand.u32 $0xF, v7;
	v5 =	vand.u32 $0xF, v5;
	v8 =	vand.u32 $0xF, v8  }
0x53: {  	v9 =	vor.u32 s21, v6;
	v12 =	vor.u32 s21, v7;
	v13 =	vor.u32 s21, v5;
	[hbm4b:s6+s30] =	stream.strided.scatter [tilespmem:s0], [sflag:$0x5], $0x2000, s31, s30, $0x38;
	[tilespmem:$0x10200] =	vst v63  }
0x54: {  	s17 =	simm.s32 $0x0;
	s6 =	simm.s32 $0x0;
	v10 =	vor.u32 s21, v8;
	v9 =	vshll.u32 v9, $0x6;
	v13 =	vshll.u32 v13, $0x6;
	_ =	swait.ge [sflag:s1], $0x4000  }
0x55: {  	s19 =	sand.u32 $0x8, s17;
	v12 =	vshll.u32 v12, $0x6;
	v11 =	vor.u32 s6, v2;
	v10 =	vshll.u32 v10, $0x6;
	[sflag:s1] =	ssyncset.done $0x0  }
0x56: {  	s19 =	sadd.s32 $0x0, s19;
	v10 =	vadd.s32 v11, v10;
	v13 =	vadd.s32 v11, v13;
	v9 =	vadd.s32 v11, v9;
	[sflag:s1] =	ssyncadd.s32 $0xFFFFC000  }
0x57: {  	v11 =	vadd.s32 v11, v12;
	v12 =	vmov s19;
	s19 =	simm.s32 $0x4;
	v10 =	vor.u32 v1, v10;
	_ =	swait.ge [sflag:s8], $0x100  }
0x58: {  	s16 =	sand.u32 $0x70, s16;
	v13 =	vor.u32 v1, v13;
	v9 =	vor.u32 v1, v9;
	v12 =	vshll.u32 v12, $0xA;
	s21 =	sand.u32 $0xC, s19;
	[sflag:s8] =	ssyncset.done $0x0  }
0x59: {  	v15 =	vor.u32 v1, v11;
	v11 =	vor.u32 s16, v3;
	v12 =	vor.u32 v4, v12;
	s6 =	sor.u32 $0x1, s21;
	[sflag:s8] =	ssyncadd.s32 $0xFFFFFF00  }
0x5a: {  	v6 =	vor.u32 v6, v11;
	v8 =	vor.u32 v8, v11;
	v5 =	vor.u32 v5, v11;
	[tilespmem:s24], [sflag:$0x3] =	stream.indirect.gather [hbm4b:s4+s23], $0x40, s3, s23, $0xb8;
	[tilespmem:$0x10200] =	vst v63  }
0x5b: {  	v16 =	vor.u32 v7, v11;
	v7 =	vadd.s32 s21, v0;
	s17 =	sor.u32 $0x2, s21;
	s16 =	sor.u32 $0x3, s21;
	s20 =	rddreg [dreg:$0x7];
	v11 =	vor.u32 v12, v8  }
0x5c: {  	v17 =	vor.u32 v12, v5;
	v14 =	vor.u32 v12, v6;
	v5 =	vadd.s32 s6, v0;
	[tilespmem:s23], [sflag:$0x2] =	stream.linear.gather [hbm4b:s20+s3], $0x100, $0x38;
	[tilespmem:$0x10200] =	vst v63  }
0x5d: {  	v8 =	vadd.s32 s17, v0;
	v18 =	vadd.s32 s16, v0;
	v7 =	vand.u32 $0xF, v7;
	v10 =	vld.idx.msk [tilespmem:v10+s28+$0x0], $0xffff  }
0x5e: {  	s6 =	sand.u32 $0xF0, s19;
	v6 =	vand.u32 $0xF, v5;
	v5 =	vand.u32 $0xF, v8;
	v8 =	vand.u32 $0xF, v18  }
0x5f: {  	s17 =	simm.s32 $0x0;
	v22 =	vor.u32 s6, v7;
	v19 =	vor.u32 s6, v8;
	v18 =	vld.idx.msk [tilespmem:v9+s28+$0x0], $0xffff  }
0x60: {  	v20 =	vor.u32 s17, v2;
	v22 =	vshll.u32 v22, $0x6;
	v19 =	vshll.u32 v19, $0x6  }
0x61: {  	v19 =	vadd.s32 v20, v19;
	v9 =	vor.u32 s6, v6;
	v21 =	vld.idx.msk [tilespmem:v13+s28+$0x0], $0xffff;
	v13 =	vor.u32 s6, v5  }
0x62: {  	s20 =	simm.s32 $0x0;
	v9 =	vshll.u32 v9, $0x6;
	[tilespmem:v11+s9+$0x0] =	vst.idx.msk $0xffff, v10;
	v10 =	vshll.u32 v13, $0x6;
	v13 =	vor.u32 v1, v19  }
0x63: {  	s16 =	sand.u32 $0x8, s20;
	v11 =	vadd.s32 v20, v22;
	v19 =	vadd.s32 v20, v9  }
0x64: {  	s16 =	sadd.s32 $0x0, s16;
	[tilespmem:v14+s9+$0x0] =	vst.idx.msk $0xffff, v18;
	v10 =	vadd.s32 v20, v10;
	v14 =	vor.u32 v1, v19  }
0x65: {  	s21 =	sand.u32 $0x70, s19;
	v18 =	vmov s16;
	v9 =	vor.u32 v1, v11;
	v11 =	vor.u32 v1, v10  }
0x66: {  	v12 =	vor.u32 v12, v16;
	[tilespmem:v17+s9+$0x0] =	vst.idx.msk $0xffff, v21;
	v16 =	vshll.u32 v18, $0xA;
	v10 =	vld.idx.msk [tilespmem:v15+s28+$0x0], $0xffff;
	v15 =	vor.u32 s21, v3  }
.LBB2_4:
0x67: {  	s19 =	sadd.s32 $0x4, s19;
	v16 =	vor.u32 v4, v16;
	v6 =	vor.u32 v6, v15;
	v13 =	vld.idx.msk [tilespmem:v13+s28+$0x0], $0xffff;
	v8 =	vor.u32 v8, v15  }
0x68: {  	v7 =	vor.u32 v7, v15;
	v15 =	vor.u32 v5, v15;
	s16 =	sand.u32 $0xC, s19;
	p0 =	slt.u32 s19, $0x3FC;
	v17 =	vor.u32 v16, v8  }
0x69: {  	v19 =	vor.u32 v16, v7;
	v20 =	vor.u32 v16, v6;
	v18 =	vadd.s32 s16, v0;
	s20 =	sor.u32 $0x1, s16;
	s21 =	sor.u32 $0x2, s16;
	s16 =	sor.u32 $0x3, s16;
	v14 =	vld.idx.msk [tilespmem:v14+s28+$0x0], $0xffff  }
0x6a: {  	v5 =	vadd.s32 s20, v0;
	v7 =	vadd.s32 s21, v0;
	v8 =	vadd.s32 s16, v0;
	v11 =	vld.idx.msk [tilespmem:v11+s28+$0x0], $0xffff  }
0x6b: {  	s16 =	sshrl.u32 s19, $0x8;
	s20 =	sand.u32 $0xF0, s19;
	v6 =	vand.u32 $0xF, v5;
	v5 =	vand.u32 $0xF, v7;
	v8 =	vand.u32 $0xF, v8;
	v21 =	vld.idx.msk [tilespmem:v9+s28+$0x0], $0xffff;
	[tilespmem:v12+s9+$0x0] =	vst.idx.msk $0xffff, v10  }
0x6c: {  	v7 =	vand.u32 $0xF, v18;
	s21 =	sshll.u32 s16, $0x4;
	v9 =	vor.u32 s20, v6;
	v10 =	vor.u32 s20, v8  }
0x6d: {  	v12 =	vor.u32 s21, v2;
	v18 =	vor.u32 s20, v5;
	v10 =	vshll.u32 v10, $0x6;
	[tilespmem:v17+s9+$0x0] =	vst.idx.msk $0xffff, v13  }
0x6e: {  	v13 =	vor.u32 s20, v7;
	v9 =	vshll.u32 v9, $0x6;
	v22 =	vadd.s32 v12, v10  }
.Ltmp1:
0x6f: {  	s20 =	sshrl.u32 s19, $0x4;
	v18 =	vshll.u32 v18, $0x6;
	v17 =	vshll.u32 v13, $0x6;
	v13 =	vor.u32 v1, v22;
	[tilespmem:v20+s9+$0x0] =	vst.idx.msk $0xffff, v14;
	(pc) =	sbr.rel @p0 .LBB2_4-.Ltmp1, $4  }
0x70: {  	s16 =	sshll.u32 s16, $0x1;
	s20 =	sand.u32 $0x8, s20;
	v14 =	vadd.s32 v12, v17;
	v17 =	vadd.s32 v12, v9;
	v12 =	vadd.s32 v12, v18;
	v10 =	vmovc v11  }
0x71: {  	s16 =	sadd.s32 s16, s20;
	v9 =	vor.u32 v1, v14;
	v14 =	vor.u32 v1, v17;
	v11 =	vor.u32 v1, v12  }
0x72: {  	v17 =	vmov s16;
	s16 =	sand.u32 $0x70, s19;
	v12 =	vor.u32 v16, v15;
	[tilespmem:v19+s9+$0x0] =	vst.idx.msk $0xffff, v21  }
0x73: {  	v16 =	vshll.u32 v17, $0xA;
	v15 =	vor.u32 s16, v3  }
0x74: {  	_ =	sdelay $0x2  }
0x75: {  	v16 =	vor.u32 v4, v16;
	v8 =	vor.u32 v8, v15  }
0x76: {  	v6 =	vor.u32 v6, v15;
	v13 =	vld.idx.msk [tilespmem:v13+s28+$0x0], $0xffff;
	v8 =	vor.u32 v16, v8  }
0x77: {  	v7 =	vor.u32 v7, v15;
	v14 =	vld.idx.msk [tilespmem:v14+s28+$0x0], $0xffff;
	v6 =	vor.u32 v16, v6  }
0x78: {  	v5 =	vor.u32 v5, v15;
	v9 =	vld.idx.msk [tilespmem:v9+s28+$0x0], $0xffff;
	v7 =	vor.u32 v16, v7  }
0x79: {  	v11 =	vld.idx.msk [tilespmem:v11+s28+$0x0], $0xffff;
	v5 =	vor.u32 v16, v5  }
0x7a: {  	[tilespmem:v12+s9+$0x0] =	vst.idx.msk $0xffff, v10  }
0x7b: {  	[tilespmem:v8+s9+$0x0] =	vst.idx.msk $0xffff, v13  }
0x7c: {  	[tilespmem:v6+s9+$0x0] =	vst.idx.msk $0xffff, v14  }
0x7d: {  	[tilespmem:v7+s9+$0x0] =	vst.idx.msk $0xffff, v9  }
0x7e: {  	[tilespmem:v5+s9+$0x0] =	vst.idx.msk $0xffff, v11  }
0x7f: {  	s6 =	rddreg [dreg:$0x8]  }
0x80: {  	[hbm4b:s6+s30] =	stream.strided.scatter [tilespmem:s9], [sflag:$0x6], $0x2000, s31, s30, $0x38;
	[tilespmem:$0x10200] =	vst v63  }
0x81: {  	s19 =	simm.s32 $0x1;
	s21 =	rddreg [dreg:$0x9]  }
0x82: {  	[hbm4b:s21+s30] =	stream.strided.scatter [tilespmem:s11], [sflag:$0x6], $0x2000, s31, s30, $0x38;
	[tilespmem:$0x10200] =	vst v63  }
.LBB2_6:
0x83: {  	_ =	swait.ge [sflag:s25], $0x4000;
	s16 =	simm.s32 $0x0  }
0x84: {  	s20 =	sshll.u32 s19, $0x9;
	[sflag:s25] =	ssyncset.done $0x0;
	s21 =	sand.u32 $0xC, s16  }
0x85: {  	s6 =	sadd.s32 s20, s15;
	[sflag:s25] =	ssyncadd.s32 $0xFFFFC000;
	s17 =	sor.u32 $0x1, s21  }
0x86: {  	v5 =	vadd.s32 s21, v0;
	s6 =	sshrl.u32 s6, $0x3;
	_ =	swait.ge [sflag:s26], $0x100;
	v6 =	vadd.s32 s17, v0;
	s17 =	sor.u32 $0x2, s21  }
0x87: {  	s21 =	sor.u32 $0x3, s21;
	v5 =	vand.u32 $0xF, v5;
	[sflag:s26] =	ssyncset.done $0x0;
	v7 =	vadd.s32 s17, v0;
	s17 =	sand.u32 $0xF0, s16  }
0x88: {  	v8 =	vadd.s32 s21, v0;
	v6 =	vand.u32 $0xF, v6;
	s21 =	simm.s32 $0x0;
	s16 =	sand.u32 $0x70, s16;
	[sflag:s26] =	ssyncadd.s32 $0xFFFFFF00;
	v7 =	vand.u32 $0xF, v7  }
0x89: {  	v8 =	vand.u32 $0xF, v8;
	v9 =	vor.u32 s17, v6;
	v11 =	vor.u32 s21, v2;
	[tilespmem:s28], [sflag:$0x4] =	stream.indirect.gather [hbm4b:s4+s23], $0x40, s23, s23, $0xb8;
	[tilespmem:$0x10200] =	vst v63  }
0x8a: {  	s6 =	sadd.s32 s2, s6;
	v13 =	vor.u32 s17, v5;
	s21 =	simm.s32 $0x0;
	v14 =	vor.u32 s16, v3;
	v10 =	vor.u32 s17, v8  }
0x8b: {  	v12 =	vor.u32 s17, v7;
	v9 =	vshll.u32 v9, $0x6;
	v13 =	vshll.u32 v13, $0x6;
	[tilespmem:s3], [sflag:$0x1] =	stream.linear.gather [hbm4b:s6+s3], $0x100, $0x38;
	[tilespmem:$0x10200] =	vst v63  }
0x8c: {  	v6 =	vor.u32 v6, v14;
	v10 =	vshll.u32 v10, $0x6;
	v12 =	vshll.u32 v12, $0x6;
	s6 =	sand.u32 $0x8, s21  }
0x8d: {  	v13 =	vadd.s32 v11, v13;
	v9 =	vadd.s32 v11, v9;
	v10 =	vadd.s32 v11, v10;
	s21 =	simm.s32 $0x4;
	s6 =	sadd.s32 $0x0, s6;
	_ =	swait.ge [sflag:s12], $0x2000  }
0x8e: {  	v11 =	vadd.s32 v11, v12;
	v10 =	vor.u32 v1, v10;
	v12 =	vmov s6;
	[sflag:s12] =	ssyncset.done $0x0;
	s6 =	sand.u32 $0xC, s21  }
0x8f: {  	v8 =	vor.u32 v8, v14;
	v5 =	vor.u32 v5, v14;
	v16 =	vor.u32 v7, v14;
	[sflag:s12] =	ssyncadd.s32 $0xFFFFE000;
	s16 =	sor.u32 $0x1, s6  }
0x90: {  	v9 =	vor.u32 v1, v9;
	v12 =	vshll.u32 v12, $0xA;
	v7 =	vadd.s32 s6, v0;
	s17 =	sor.u32 $0x2, s6;
	s6 =	sor.u32 $0x3, s6;
	_ =	swait.ge [sflag:s12], $0x2000  }
0x91: {  	v13 =	vor.u32 v1, v13;
	v15 =	vor.u32 v4, v12;
	v18 =	vadd.s32 s6, v0;
	[sflag:s12] =	ssyncset.done $0x0  }
0x92: {  	v7 =	vand.u32 $0xF, v7;
	v12 =	vor.u32 v15, v8;
	v17 =	vor.u32 v15, v5;
	[sflag:s12] =	ssyncadd.s32 $0xFFFFE000  }
0x93: {  	v14 =	vor.u32 v15, v6;
	v5 =	vadd.s32 s16, v0;
	v8 =	vadd.s32 s17, v0;
	v10 =	vld.idx.msk [tilespmem:v10+s24+$0x0], $0xffff  }
0x94: {  	s6 =	sand.u32 $0xF0, s21;
	v6 =	vand.u32 $0xF, v5;
	v5 =	vand.u32 $0xF, v8;
	v8 =	vand.u32 $0xF, v18  }
0x95: {  	v11 =	vor.u32 v1, v11;
	s17 =	simm.s32 $0x0;
	v22 =	vor.u32 s6, v7;
	v9 =	vld.idx.msk [tilespmem:v9+s24+$0x0], $0xffff;
	v19 =	vor.u32 s6, v8  }
0x96: {  	v20 =	vor.u32 s17, v2;
	v22 =	vshll.u32 v22, $0x6;
	v19 =	vshll.u32 v19, $0x6  }
0x97: {  	v18 =	vor.u32 s6, v6;
	v21 =	vld.idx.msk [tilespmem:v13+s24+$0x0], $0xffff;
	v13 =	vor.u32 s6, v5;
	v19 =	vadd.s32 v20, v19  }
0x98: {  	s16 =	simm.s32 $0x0;
	v18 =	vshll.u32 v18, $0x6;
	[tilespmem:v12+s29+$0x0] =	vst.idx.msk $0xffff, v10;
	v10 =	vshll.u32 v13, $0x6;
	v13 =	vor.u32 v1, v19  }
0x99: {  	s6 =	sand.u32 $0x8, s16;
	v18 =	vadd.s32 v20, v18;
	v12 =	vadd.s32 v20, v22  }
0x9a: {  	s6 =	sadd.s32 $0x0, s6;
	[tilespmem:v14+s29+$0x0] =	vst.idx.msk $0xffff, v9;
	v14 =	vor.u32 v1, v18;
	v19 =	vadd.s32 v20, v10  }
0x9b: {  	s17 =	sand.u32 $0x70, s21;
	v18 =	vmov s6;
	v10 =	vor.u32 v1, v12;
	v12 =	vor.u32 v1, v19  }
0x9c: {  	v9 =	vld.idx.msk [tilespmem:v11+s24+$0x0], $0xffff;
	[tilespmem:v17+s29+$0x0] =	vst.idx.msk $0xffff, v21;
	v11 =	vor.u32 v15, v16;
	v15 =	vor.u32 s17, v3;
	v16 =	vshll.u32 v18, $0xA  }
.LBB2_7:
0x9d: {  	s21 =	sadd.s32 $0x4, s21;
	v16 =	vor.u32 v4, v16;
	v6 =	vor.u32 v6, v15;
	v13 =	vld.idx.msk [tilespmem:v13+s24+$0x0], $0xffff;
	v8 =	vor.u32 v8, v15  }
0x9e: {  	v7 =	vor.u32 v7, v15;
	v15 =	vor.u32 v5, v15;
	s6 =	sand.u32 $0xC, s21;
	p0 =	slt.u32 s21, $0x3FC;
	v17 =	vor.u32 v16, v8  }
0x9f: {  	v19 =	vor.u32 v16, v7;
	v20 =	vor.u32 v16, v6;
	v18 =	vadd.s32 s6, v0;
	s16 =	sor.u32 $0x1, s6;
	s17 =	sor.u32 $0x2, s6;
	s6 =	sor.u32 $0x3, s6;
	v14 =	vld.idx.msk [tilespmem:v14+s24+$0x0], $0xffff  }
0xa0: {  	v5 =	vadd.s32 s16, v0;
	v7 =	vadd.s32 s17, v0;
	v8 =	vadd.s32 s6, v0;
	v12 =	vld.idx.msk [tilespmem:v12+s24+$0x0], $0xffff  }
0xa1: {  	s6 =	sshrl.u32 s21, $0x8;
	s16 =	sand.u32 $0xF0, s21;
	v6 =	vand.u32 $0xF, v5;
	v5 =	vand.u32 $0xF, v7;
	v8 =	vand.u32 $0xF, v8;
	v21 =	vld.idx.msk [tilespmem:v10+s24+$0x0], $0xffff;
	[tilespmem:v11+s29+$0x0] =	vst.idx.msk $0xffff, v9  }
0xa2: {  	v7 =	vand.u32 $0xF, v18;
	s17 =	sshll.u32 s6, $0x4;
	v9 =	vor.u32 s16, v6;
	v10 =	vor.u32 s16, v8  }
0xa3: {  	v11 =	vor.u32 s17, v2;
	v18 =	vor.u32 s16, v5;
	v10 =	vshll.u32 v10, $0x6;
	[tilespmem:v17+s29+$0x0] =	vst.idx.msk $0xffff, v13  }
0xa4: {  	v13 =	vor.u32 s16, v7;
	v22 =	vshll.u32 v9, $0x6;
	v10 =	vadd.s32 v11, v10  }
.Ltmp2:
0xa5: {  	s16 =	sshrl.u32 s21, $0x4;
	v18 =	vshll.u32 v18, $0x6;
	v17 =	vshll.u32 v13, $0x6;
	v13 =	vor.u32 v1, v10;
	[tilespmem:v20+s29+$0x0] =	vst.idx.msk $0xffff, v14;
	(pc) =	sbr.rel @p0 .LBB2_7-.Ltmp2, $4  }
0xa6: {  	s6 =	sshll.u32 s6, $0x1;
	s16 =	sand.u32 $0x8, s16;
	v10 =	vadd.s32 v11, v17;
	v14 =	vadd.s32 v11, v22;
	v11 =	vadd.s32 v11, v18;
	v9 =	vmovc v12  }
0xa7: {  	s6 =	sadd.s32 s6, s16;
	v10 =	vor.u32 v1, v10;
	v14 =	vor.u32 v1, v14;
	v12 =	vor.u32 v1, v11  }
0xa8: {  	v17 =	vmov s6;
	s6 =	sand.u32 $0x70, s21;
	v11 =	vor.u32 v16, v15;
	[tilespmem:v19+s29+$0x0] =	vst.idx.msk $0xffff, v21  }
0xa9: {  	v16 =	vshll.u32 v17, $0xA;
	v15 =	vor.u32 s6, v3  }
0xaa: {  	_ =	sdelay $0x2  }
0xab: {  	v16 =	vor.u32 v4, v16;
	v8 =	vor.u32 v8, v15  }
0xac: {  	v6 =	vor.u32 v6, v15;
	v13 =	vld.idx.msk [tilespmem:v13+s24+$0x0], $0xffff;
	v8 =	vor.u32 v16, v8  }
0xad: {  	v7 =	vor.u32 v7, v15;
	v14 =	vld.idx.msk [tilespmem:v14+s24+$0x0], $0xffff;
	v6 =	vor.u32 v16, v6  }
0xae: {  	v5 =	vor.u32 v5, v15;
	v10 =	vld.idx.msk [tilespmem:v10+s24+$0x0], $0xffff;
	s21 =	sshll.u32 s19, $0x1;
	v7 =	vor.u32 v16, v7  }
0xaf: {  	v12 =	vld.idx.msk [tilespmem:v12+s24+$0x0], $0xffff;
	v5 =	vor.u32 v16, v5;
	s6 =	sadd.s32 s7, s21  }
0xb0: {  	[tilespmem:v11+s29+$0x0] =	vst.idx.msk $0xffff, v9;
	s16 =	sshll.u32 s6, $0xE;
	s6 =	sshll.u32 s6, $0xB  }
0xb1: {  	s16 =	sand.u32 $0x7FFC0000, s16;
	s6 =	sand.u32 $0x7000, s6;
	[tilespmem:v8+s29+$0x0] =	vst.idx.msk $0xffff, v13  }
0xb2: {  	s6 =	sor.u32 s6, s16;
	[tilespmem:v6+s29+$0x0] =	vst.idx.msk $0xffff, v14  }
0xb3: {  	s6 =	sshrl.u32 s6, $0x3;
	[tilespmem:v7+s29+$0x0] =	vst.idx.msk $0xffff, v10  }
0xb4: {  	[tilespmem:v5+s29+$0x0] =	vst.idx.msk $0xffff, v12;
	s6 =	sadd.s32 s5, s6  }
0xb5: {  	[hbm4b:s6+s30] =	stream.strided.scatter [tilespmem:s29], [sflag:$0x5], $0x2000, s31, s30, $0x38;
	[tilespmem:$0x10200] =	vst v63  }
0xb6: {  	s6 =	sadd.s32 $0x80, s6  }
0xb7: {  	[hbm4b:s6+s30] =	stream.strided.scatter [tilespmem:s0], [sflag:$0x5], $0x2000, s31, s30, $0x38;
	[tilespmem:$0x10200] =	vst v63  }
0xb8: {  	s6 =	simm.s32 $0x0  }
0xb9: {  	s20 =	sadd.s32 s20, s18;
	_ =	swait.ge [sflag:s1], $0x4000;
	s16 =	sand.u32 $0xC, s6  }
0xba: {  	s20 =	sshrl.u32 s20, $0x3;
	[sflag:s1] =	ssyncset.done $0x0;
	s17 =	sor.u32 $0x1, s16  }
0xbb: {  	v5 =	vadd.s32 s16, v0;
	[sflag:s1] =	ssyncadd.s32 $0xFFFFC000;
	v6 =	vadd.s32 s17, v0;
	s17 =	sor.u32 $0x2, s16;
	s16 =	sor.u32 $0x3, s16  }
0xbc: {  	_ =	swait.ge [sflag:s8], $0x100;
	v7 =	vadd.s32 s17, v0;
	v8 =	vadd.s32 s16, v0;
	s16 =	sadd.s32 s2, s20  }
0xbd: {  	v5 =	vand.u32 $0xF, v5;
	v6 =	vand.u32 $0xF, v6;
	s17 =	sand.u32 $0xF0, s6;
	s20 =	simm.s32 $0x0;
	[sflag:s8] =	ssyncset.done $0x0;
	v7 =	vand.u32 $0xF, v7  }
0xbe: {  	s6 =	sand.u32 $0x70, s6;
	v8 =	vand.u32 $0xF, v8;
	v9 =	vor.u32 s17, v6;
	v11 =	vor.u32 s20, v2;
	[sflag:s8] =	ssyncadd.s32 $0xFFFFFF00  }
0xbf: {  	v13 =	vor.u32 s17, v5;
	v14 =	vor.u32 s6, v3;
	v10 =	vor.u32 s17, v8;
	[tilespmem:s24], [sflag:$0x3] =	stream.indirect.gather [hbm4b:s4+s23], $0x40, s3, s23, $0xb8;
	[tilespmem:$0x10200] =	vst v63  }
0xc0: {  	s20 =	simm.s32 $0x0;
	v12 =	vor.u32 s17, v7;
	v9 =	vshll.u32 v9, $0x6;
	v13 =	vshll.u32 v13, $0x6  }
0xc1: {  	v6 =	vor.u32 v6, v14;
	v8 =	vor.u32 v8, v14;
	v10 =	vshll.u32 v10, $0x6;
	[tilespmem:s23], [sflag:$0x2] =	stream.linear.gather [hbm4b:s16+s3], $0x100, $0x38;
	[tilespmem:$0x10200] =	vst v63  }
0xc2: {  	v5 =	vor.u32 v5, v14;
	v16 =	vor.u32 v7, v14;
	v10 =	vadd.s32 v11, v10;
	s16 =	sand.u32 $0x8, s20;
	s20 =	simm.s32 $0x4;
	_ =	swait.ge [sflag:s13], $0x2000  }
0xc3: {  	v12 =	vshll.u32 v12, $0x6;
	v13 =	vadd.s32 v11, v13;
	v10 =	vor.u32 v1, v10;
	s16 =	sadd.s32 $0x0, s16;
	s6 =	sand.u32 $0xC, s20;
	[sflag:s13] =	ssyncset.done $0x0  }
0xc4: {  	v9 =	vadd.s32 v11, v9;
	v11 =	vadd.s32 v11, v12;
	v12 =	vmov s16;
	s16 =	sor.u32 $0x1, s6;
	[sflag:s13] =	ssyncadd.s32 $0xFFFFE000  }
0xc5: {  	v9 =	vor.u32 v1, v9;
	v7 =	vadd.s32 s6, v0;
	s17 =	sor.u32 $0x2, s6;
	s6 =	sor.u32 $0x3, s6;
	v12 =	vshll.u32 v12, $0xA;
	_ =	swait.ge [sflag:s13], $0x2000  }
0xc6: {  	v13 =	vor.u32 v1, v13;
	v18 =	vadd.s32 s6, v0;
	v15 =	vor.u32 v4, v12;
	[sflag:s13] =	ssyncset.done $0x0  }
0xc7: {  	v7 =	vand.u32 $0xF, v7;
	v12 =	vor.u32 v15, v8;
	v17 =	vor.u32 v15, v5;
	[sflag:s13] =	ssyncadd.s32 $0xFFFFE000  }
0xc8: {  	v14 =	vor.u32 v15, v6;
	v5 =	vadd.s32 s16, v0;
	v8 =	vadd.s32 s17, v0;
	v10 =	vld.idx.msk [tilespmem:v10+s28+$0x0], $0xffff  }
0xc9: {  	s6 =	sand.u32 $0xF0, s20;
	v6 =	vand.u32 $0xF, v5;
	v5 =	vand.u32 $0xF, v8;
	v8 =	vand.u32 $0xF, v18  }
0xca: {  	v11 =	vor.u32 v1, v11;
	v22 =	vor.u32 s6, v7;
	s17 =	simm.s32 $0x0;
	v9 =	vld.idx.msk [tilespmem:v9+s28+$0x0], $0xffff;
	v19 =	vor.u32 s6, v8  }
0xcb: {  	v22 =	vshll.u32 v22, $0x6;
	v20 =	vor.u32 s17, v2;
	v19 =	vshll.u32 v19, $0x6  }
0xcc: {  	v18 =	vor.u32 s6, v6;
	v21 =	vld.idx.msk [tilespmem:v13+s28+$0x0], $0xffff;
	v13 =	vor.u32 s6, v5;
	v19 =	vadd.s32 v20, v19  }
0xcd: {  	s16 =	simm.s32 $0x0;
	v18 =	vshll.u32 v18, $0x6;
	[tilespmem:v12+s9+$0x0] =	vst.idx.msk $0xffff, v10;
	v10 =	vshll.u32 v13, $0x6;
	v13 =	vor.u32 v1, v19  }
0xce: {  	s6 =	sand.u32 $0x8, s16;
	v18 =	vadd.s32 v20, v18;
	v12 =	vadd.s32 v20, v22  }
0xcf: {  	s6 =	sadd.s32 $0x0, s6;
	[tilespmem:v14+s9+$0x0] =	vst.idx.msk $0xffff, v9;
	v14 =	vor.u32 v1, v18;
	v19 =	vadd.s32 v20, v10  }
0xd0: {  	s17 =	sand.u32 $0x70, s20;
	v18 =	vmov s6;
	v10 =	vor.u32 v1, v12;
	v12 =	vor.u32 v1, v19  }
0xd1: {  	v9 =	vld.idx.msk [tilespmem:v11+s28+$0x0], $0xffff;
	[tilespmem:v17+s9+$0x0] =	vst.idx.msk $0xffff, v21;
	v11 =	vor.u32 v15, v16;
	v15 =	vor.u32 s17, v3;
	v16 =	vshll.u32 v18, $0xA  }
.LBB2_9:
0xd2: {  	s20 =	sadd.s32 $0x4, s20;
	v16 =	vor.u32 v4, v16;
	v6 =	vor.u32 v6, v15;
	v13 =	vld.idx.msk [tilespmem:v13+s28+$0x0], $0xffff;
	v8 =	vor.u32 v8, v15  }
0xd3: {  	v7 =	vor.u32 v7, v15;
	v15 =	vor.u32 v5, v15;
	s6 =	sand.u32 $0xC, s20;
	p0 =	slt.u32 s20, $0x3FC;
	v17 =	vor.u32 v16, v8  }
0xd4: {  	v19 =	vor.u32 v16, v7;
	v20 =	vor.u32 v16, v6;
	v18 =	vadd.s32 s6, v0;
	s16 =	sor.u32 $0x1, s6;
	s17 =	sor.u32 $0x2, s6;
	s6 =	sor.u32 $0x3, s6;
	v14 =	vld.idx.msk [tilespmem:v14+s28+$0x0], $0xffff  }
0xd5: {  	v5 =	vadd.s32 s16, v0;
	v7 =	vadd.s32 s17, v0;
	v8 =	vadd.s32 s6, v0;
	v12 =	vld.idx.msk [tilespmem:v12+s28+$0x0], $0xffff  }
0xd6: {  	s6 =	sshrl.u32 s20, $0x8;
	s16 =	sand.u32 $0xF0, s20;
	v6 =	vand.u32 $0xF, v5;
	v5 =	vand.u32 $0xF, v7;
	v8 =	vand.u32 $0xF, v8;
	v21 =	vld.idx.msk [tilespmem:v10+s28+$0x0], $0xffff;
	[tilespmem:v11+s9+$0x0] =	vst.idx.msk $0xffff, v9  }
0xd7: {  	v7 =	vand.u32 $0xF, v18;
	s17 =	sshll.u32 s6, $0x4;
	v9 =	vor.u32 s16, v6;
	v10 =	vor.u32 s16, v8  }
0xd8: {  	v11 =	vor.u32 s17, v2;
	v18 =	vor.u32 s16, v5;
	v10 =	vshll.u32 v10, $0x6;
	[tilespmem:v17+s9+$0x0] =	vst.idx.msk $0xffff, v13  }
0xd9: {  	v13 =	vor.u32 s16, v7;
	v22 =	vshll.u32 v9, $0x6;
	v10 =	vadd.s32 v11, v10  }
.Ltmp3:
0xda: {  	s16 =	sshrl.u32 s20, $0x4;
	v18 =	vshll.u32 v18, $0x6;
	v17 =	vshll.u32 v13, $0x6;
	v13 =	vor.u32 v1, v10;
	[tilespmem:v20+s9+$0x0] =	vst.idx.msk $0xffff, v14;
	(pc) =	sbr.rel @p0 .LBB2_9-.Ltmp3, $4  }
0xdb: {  	s6 =	sshll.u32 s6, $0x1;
	s16 =	sand.u32 $0x8, s16;
	v10 =	vadd.s32 v11, v17;
	v14 =	vadd.s32 v11, v22;
	v11 =	vadd.s32 v11, v18;
	v9 =	vmovc v12  }
0xdc: {  	s6 =	sadd.s32 s6, s16;
	v10 =	vor.u32 v1, v10;
	v14 =	vor.u32 v1, v14;
	v12 =	vor.u32 v1, v11  }
0xdd: {  	v17 =	vmov s6;
	s6 =	sand.u32 $0x70, s20;
	v11 =	vor.u32 v16, v15;
	[tilespmem:v19+s9+$0x0] =	vst.idx.msk $0xffff, v21  }
0xde: {  	v16 =	vshll.u32 v17, $0xA;
	v15 =	vor.u32 s6, v3  }
0xdf: {  	_ =	sdelay $0x2  }
0xe0: {  	v16 =	vor.u32 v4, v16;
	v8 =	vor.u32 v8, v15  }
0xe1: {  	v6 =	vor.u32 v6, v15;
	v13 =	vld.idx.msk [tilespmem:v13+s28+$0x0], $0xffff;
	v8 =	vor.u32 v16, v8  }
0xe2: {  	v7 =	vor.u32 v7, v15;
	v14 =	vld.idx.msk [tilespmem:v14+s28+$0x0], $0xffff;
	v6 =	vor.u32 v16, v6  }
0xe3: {  	v5 =	vor.u32 v5, v15;
	v10 =	vld.idx.msk [tilespmem:v10+s28+$0x0], $0xffff;
	s6 =	sadd.s32 s21, s7;
	v7 =	vor.u32 v16, v7  }
0xe4: {  	v12 =	vld.idx.msk [tilespmem:v12+s28+$0x0], $0xffff;
	v5 =	vor.u32 v16, v5;
	s6 =	sadd.s32 $0x1, s6  }
0xe5: {  	[tilespmem:v11+s9+$0x0] =	vst.idx.msk $0xffff, v9;
	s16 =	sshll.u32 s6, $0xE;
	s6 =	sshll.u32 s6, $0xB  }
0xe6: {  	s19 =	sadd.s32 $0x1, s19;
	s16 =	sand.u32 $0x7FFC0000, s16;
	s6 =	sand.u32 $0x7800, s6;
	[tilespmem:v8+s9+$0x0] =	vst.idx.msk $0xffff, v13  }
0xe7: {  	p0 =	sne.s32 s19, $0x31;
	s6 =	sor.u32 s6, s16;
	[tilespmem:v6+s9+$0x0] =	vst.idx.msk $0xffff, v14  }
.Ltmp4:
0xe8: {  	s6 =	sshrl.u32 s6, $0x3;
	[tilespmem:v7+s9+$0x0] =	vst.idx.msk $0xffff, v10;
	(pc) =	sbr.rel @p0 .LBB2_6-.Ltmp4, $4  }
0xe9: {  	[tilespmem:v5+s9+$0x0] =	vst.idx.msk $0xffff, v12;
	s6 =	sadd.s32 s5, s6  }
0xea: {  	[hbm4b:s6+s30] =	stream.strided.scatter [tilespmem:s9], [sflag:$0x6], $0x2000, s31, s30, $0x38;
	[tilespmem:$0x10200] =	vst v63  }
0xeb: {  	s6 =	sadd.s32 $0x80, s6  }
0xec: {  	[hbm4b:s6+s30] =	stream.strided.scatter [tilespmem:s11], [sflag:$0x6], $0x2000, s31, s30, $0x38;
	[tilespmem:$0x10200] =	vst v63  }
0xed: {  	s6 =	simm.s32 $0x0  }
0xee: {  	_ =	swait.ge [sflag:s25], $0x4000;
	s20 =	simm.s32 $0x0;
	s16 =	sand.u32 $0xC, s6  }
0xef: {  	v11 =	vor.u32 s20, v2;
	s17 =	sor.u32 $0x1, s16;
	v5 =	vadd.s32 s16, v0;
	s19 =	sor.u32 $0x2, s16;
	s16 =	sor.u32 $0x3, s16  }
0xf0: {  	[sflag:s25] =	ssyncset.done $0x0;
	v6 =	vadd.s32 s17, v0;
	v7 =	vadd.s32 s19, v0;
	v8 =	vadd.s32 s16, v0  }
0xf1: {  	[sflag:s25] =	ssyncadd.s32 $0xFFFFC000;
	s19 =	sand.u32 $0xF0, s6;
	v5 =	vand.u32 $0xF, v5;
	v6 =	vand.u32 $0xF, v6;
	v7 =	vand.u32 $0xF, v7  }
0xf2: {  	s21 =	simm.s32 $0x0;
	_ =	swait.ge [sflag:s26], $0x100;
	v8 =	vand.u32 $0xF, v8;
	v13 =	vor.u32 s19, v5;
	v9 =	vor.u32 s19, v6  }
0xf3: {  	s16 =	sand.u32 $0x8, s21;
	[sflag:s26] =	ssyncset.done $0x0;
	v10 =	vor.u32 s19, v8;
	v12 =	vor.u32 s19, v7;
	v13 =	vshll.u32 v13, $0x6  }
0xf4: {  	s16 =	sadd.s32 $0x0, s16;
	[sflag:s26] =	ssyncadd.s32 $0xFFFFFF00;
	v10 =	vshll.u32 v10, $0x6;
	v9 =	vshll.u32 v9, $0x6;
	v12 =	vshll.u32 v12, $0x6  }
0xf5: {  	[tilespmem:s28], [sflag:$0x4] =	stream.indirect.gather [hbm4b:s4+s23], $0x40, s23, s23, $0xb8;
	v13 =	vadd.s32 v11, v13;
	v10 =	vadd.s32 v11, v10;
	v9 =	vadd.s32 v11, v9;
	[tilespmem:$0x10200] =	vst v63  }
0xf6: {  	_ =	swait.ge [sflag:s12], $0x2000;
	v11 =	vadd.s32 v11, v12;
	v12 =	vmov s16;
	v13 =	vor.u32 v1, v13  }
0xf7: {  	s6 =	sand.u32 $0x70, s6;
	s19 =	simm.s32 $0x4;
	v10 =	vor.u32 v1, v10;
	[sflag:s12] =	ssyncset.done $0x0;
	v9 =	vor.u32 v1, v9;
	v12 =	vshll.u32 v12, $0xA  }
0xf8: {  	s16 =	sand.u32 $0xC, s19;
	v15 =	vor.u32 v1, v11;
	v11 =	vor.u32 s6, v3;
	[sflag:s12] =	ssyncadd.s32 $0xFFFFE000;
	v12 =	vor.u32 v4, v12  }
0xf9: {  	s6 =	sor.u32 $0x3, s16;
	v6 =	vor.u32 v6, v11;
	v8 =	vor.u32 v8, v11;
	v5 =	vor.u32 v5, v11;
	_ =	swait.ge [sflag:s12], $0x2000  }
0xfa: {  	v16 =	vor.u32 v7, v11;
	v7 =	vadd.s32 s16, v0;
	v18 =	vadd.s32 s6, v0;
	[sflag:s12] =	ssyncset.done $0x0  }
0xfb: {  	s17 =	sor.u32 $0x1, s16;
	s20 =	sor.u32 $0x2, s16;
	v11 =	vor.u32 v12, v8;
	v17 =	vor.u32 v12, v5;
	v14 =	vor.u32 v12, v6;
	[sflag:s12] =	ssyncadd.s32 $0xFFFFE000  }
0xfc: {  	v5 =	vadd.s32 s17, v0;
	v8 =	vadd.s32 s20, v0;
	v7 =	vand.u32 $0xF, v7;
	v10 =	vld.idx.msk [tilespmem:v10+s24+$0x0], $0xffff  }
0xfd: {  	s21 =	sand.u32 $0xF0, s19;
	v6 =	vand.u32 $0xF, v5;
	v5 =	vand.u32 $0xF, v8;
	v8 =	vand.u32 $0xF, v18  }
0xfe: {  	s17 =	simm.s32 $0x0;
	v22 =	vor.u32 s21, v7;
	v19 =	vor.u32 s21, v8;
	v18 =	vld.idx.msk [tilespmem:v9+s24+$0x0], $0xffff  }
0xff: {  	v20 =	vor.u32 s17, v2;
	v22 =	vshll.u32 v22, $0x6;
	v19 =	vshll.u32 v19, $0x6  }
0x100: {  	v9 =	vor.u32 s21, v6;
	v21 =	vld.idx.msk [tilespmem:v13+s24+$0x0], $0xffff;
	v13 =	vor.u32 s21, v5;
	v19 =	vadd.s32 v20, v19  }
0x101: {  	s20 =	simm.s32 $0x0;
	v9 =	vshll.u32 v9, $0x6;
	[tilespmem:v11+s29+$0x0] =	vst.idx.msk $0xffff, v10;
	v10 =	vshll.u32 v13, $0x6;
	v13 =	vor.u32 v1, v19  }
0x102: {  	s6 =	sand.u32 $0x8, s20;
	v11 =	vadd.s32 v20, v22;
	v19 =	vadd.s32 v20, v9  }
0x103: {  	s6 =	sadd.s32 $0x0, s6;
	[tilespmem:v14+s29+$0x0] =	vst.idx.msk $0xffff, v18;
	v10 =	vadd.s32 v20, v10;
	v14 =	vor.u32 v1, v19  }
0x104: {  	s21 =	sand.u32 $0x70, s19;
	v18 =	vmov s6;
	v9 =	vor.u32 v1, v11;
	v11 =	vor.u32 v1, v10  }
0x105: {  	v12 =	vor.u32 v12, v16;
	[tilespmem:v17+s29+$0x0] =	vst.idx.msk $0xffff, v21;
	v16 =	vshll.u32 v18, $0xA;
	v10 =	vld.idx.msk [tilespmem:v15+s24+$0x0], $0xffff;
	v15 =	vor.u32 s21, v3  }
.LBB2_12:
0x106: {  	s19 =	sadd.s32 $0x4, s19;
	v16 =	vor.u32 v4, v16;
	v6 =	vor.u32 v6, v15;
	v13 =	vld.idx.msk [tilespmem:v13+s24+$0x0], $0xffff;
	v8 =	vor.u32 v8, v15  }
0x107: {  	v7 =	vor.u32 v7, v15;
	v15 =	vor.u32 v5, v15;
	s6 =	sand.u32 $0xC, s19;
	p0 =	slt.u32 s19, $0x3FC;
	v17 =	vor.u32 v16, v8  }
0x108: {  	v19 =	vor.u32 v16, v7;
	v20 =	vor.u32 v16, v6;
	v18 =	vadd.s32 s6, v0;
	s16 =	sor.u32 $0x1, s6;
	s17 =	sor.u32 $0x2, s6;
	s6 =	sor.u32 $0x3, s6;
	v14 =	vld.idx.msk [tilespmem:v14+s24+$0x0], $0xffff  }
0x109: {  	v5 =	vadd.s32 s16, v0;
	v7 =	vadd.s32 s17, v0;
	v8 =	vadd.s32 s6, v0;
	v11 =	vld.idx.msk [tilespmem:v11+s24+$0x0], $0xffff  }
0x10a: {  	s6 =	sshrl.u32 s19, $0x8;
	s16 =	sand.u32 $0xF0, s19;
	v6 =	vand.u32 $0xF, v5;
	v5 =	vand.u32 $0xF, v7;
	v8 =	vand.u32 $0xF, v8;
	v21 =	vld.idx.msk [tilespmem:v9+s24+$0x0], $0xffff;
	[tilespmem:v12+s29+$0x0] =	vst.idx.msk $0xffff, v10  }
0x10b: {  	v7 =	vand.u32 $0xF, v18;
	s17 =	sshll.u32 s6, $0x4;
	v9 =	vor.u32 s16, v6;
	v10 =	vor.u32 s16, v8  }
0x10c: {  	v12 =	vor.u32 s17, v2;
	v18 =	vor.u32 s16, v5;
	v10 =	vshll.u32 v10, $0x6;
	[tilespmem:v17+s29+$0x0] =	vst.idx.msk $0xffff, v13  }
0x10d: {  	v13 =	vor.u32 s16, v7;
	v9 =	vshll.u32 v9, $0x6;
	v22 =	vadd.s32 v12, v10  }
.Ltmp5:
0x10e: {  	s16 =	sshrl.u32 s19, $0x4;
	v18 =	vshll.u32 v18, $0x6;
	v17 =	vshll.u32 v13, $0x6;
	v13 =	vor.u32 v1, v22;
	[tilespmem:v20+s29+$0x0] =	vst.idx.msk $0xffff, v14;
	(pc) =	sbr.rel @p0 .LBB2_12-.Ltmp5, $4  }
0x10f: {  	s6 =	sshll.u32 s6, $0x1;
	s16 =	sand.u32 $0x8, s16;
	v14 =	vadd.s32 v12, v17;
	v17 =	vadd.s32 v12, v9;
	v12 =	vadd.s32 v12, v18;
	v10 =	vmovc v11  }
0x110: {  	s6 =	sadd.s32 s6, s16;
	v9 =	vor.u32 v1, v14;
	v14 =	vor.u32 v1, v17;
	v11 =	vor.u32 v1, v12  }
0x111: {  	v17 =	vmov s6;
	s6 =	sand.u32 $0x70, s19;
	v12 =	vor.u32 v16, v15;
	[tilespmem:v19+s29+$0x0] =	vst.idx.msk $0xffff, v21  }
0x112: {  	v16 =	vshll.u32 v17, $0xA;
	v15 =	vor.u32 s6, v3  }
0x113: {  	_ =	sdelay $0x2  }
0x114: {  	v16 =	vor.u32 v4, v16;
	v8 =	vor.u32 v8, v15  }
0x115: {  	v6 =	vor.u32 v6, v15;
	v13 =	vld.idx.msk [tilespmem:v13+s24+$0x0], $0xffff;
	v8 =	vor.u32 v16, v8  }
0x116: {  	v7 =	vor.u32 v7, v15;
	v14 =	vld.idx.msk [tilespmem:v14+s24+$0x0], $0xffff;
	v6 =	vor.u32 v16, v6  }
0x117: {  	v5 =	vor.u32 v5, v15;
	v9 =	vld.idx.msk [tilespmem:v9+s24+$0x0], $0xffff;
	v7 =	vor.u32 v16, v7  }
0x118: {  	v11 =	vld.idx.msk [tilespmem:v11+s24+$0x0], $0xffff;
	v5 =	vor.u32 v16, v5  }
0x119: {  	[tilespmem:v12+s29+$0x0] =	vst.idx.msk $0xffff, v10  }
0x11a: {  	[tilespmem:v8+s29+$0x0] =	vst.idx.msk $0xffff, v13  }
0x11b: {  	s6 =	simm.s32 $0x0;
	[tilespmem:v6+s29+$0x0] =	vst.idx.msk $0xffff, v14  }
0x11c: {  	s16 =	sand.u32 $0xC, s6;
	[tilespmem:v7+s29+$0x0] =	vst.idx.msk $0xffff, v9  }
0x11d: {  	s17 =	sor.u32 $0x1, s16;
	s19 =	sor.u32 $0x2, s16;
	[tilespmem:v5+s29+$0x0] =	vst.idx.msk $0xffff, v11  }
0x11e: {  	s21 =	simm.s32 $0x0;
	v5 =	vadd.s32 s16, v0;
	s16 =	sor.u32 $0x3, s16;
	v6 =	vadd.s32 s17, v0;
	v7 =	vadd.s32 s19, v0;
	s20 =	rddreg [dreg:$0xa]  }
0x11f: {  	v11 =	vor.u32 s21, v2;
	v8 =	vadd.s32 s16, v0;
	[hbm4b:s20+s30] =	stream.strided.scatter [tilespmem:s29], [sflag:$0x5], $0x2000, s31, s30, $0x38;
	[tilespmem:$0x10200] =	vst v63  }
0x120: {  	v6 =	vand.u32 $0xF, v6;
	s16 =	sand.u32 $0xF0, s6;
	v7 =	vand.u32 $0xF, v7;
	v5 =	vand.u32 $0xF, v5;
	s20 =	rddreg [dreg:$0xc]  }
0x121: {  	v8 =	vand.u32 $0xF, v8;
	v9 =	vor.u32 s16, v6;
	v12 =	vor.u32 s16, v7;
	[hbm4b:s20+s30] =	stream.strided.scatter [tilespmem:s0], [sflag:$0x5], $0x2000, s31, s30, $0x38;
	[tilespmem:$0x10200] =	vst v63  }
0x122: {  	s21 =	simm.s32 $0x0;
	v13 =	vor.u32 s16, v5;
	v10 =	vor.u32 s16, v8;
	v9 =	vshll.u32 v9, $0x6;
	_ =	swait.ge [sflag:s1], $0x4000  }
0x123: {  	v13 =	vshll.u32 v13, $0x6;
	s16 =	sand.u32 $0x8, s21;
	v12 =	vshll.u32 v12, $0x6;
	v10 =	vshll.u32 v10, $0x6;
	[sflag:s1] =	ssyncset.done $0x0  }
0x124: {  	v13 =	vadd.s32 v11, v13;
	s16 =	sadd.s32 $0x0, s16;
	v9 =	vadd.s32 v11, v9;
	v10 =	vadd.s32 v11, v10;
	[sflag:s1] =	ssyncadd.s32 $0xFFFFC000  }
0x125: {  	v11 =	vadd.s32 v11, v12;
	v12 =	vmov s16;
	v13 =	vor.u32 v1, v13;
	_ =	swait.ge [sflag:s13], $0x2000  }
0x126: {  	s19 =	simm.s32 $0x4;
	s6 =	sand.u32 $0x70, s6;
	v9 =	vor.u32 v1, v9;
	v10 =	vor.u32 v1, v10;
	v12 =	vshll.u32 v12, $0xA;
	[sflag:s13] =	ssyncset.done $0x0  }
0x127: {  	s16 =	sand.u32 $0xC, s19;
	v15 =	vor.u32 v1, v11;
	v11 =	vor.u32 s6, v3;
	v12 =	vor.u32 v4, v12;
	[sflag:s13] =	ssyncadd.s32 $0xFFFFE000  }
0x128: {  	s6 =	sor.u32 $0x3, s16;
	v6 =	vor.u32 v6, v11;
	v8 =	vor.u32 v8, v11;
	v5 =	vor.u32 v5, v11;
	_ =	swait.ge [sflag:s13], $0x2000  }
0x129: {  	v16 =	vor.u32 v7, v11;
	v7 =	vadd.s32 s16, v0;
	v18 =	vadd.s32 s6, v0;
	[sflag:s13] =	ssyncset.done $0x0  }
0x12a: {  	s17 =	sor.u32 $0x1, s16;
	s20 =	sor.u32 $0x2, s16;
	v11 =	vor.u32 v12, v8;
	v17 =	vor.u32 v12, v5;
	v14 =	vor.u32 v12, v6;
	[sflag:s13] =	ssyncadd.s32 $0xFFFFE000  }
0x12b: {  	v5 =	vadd.s32 s17, v0;
	v8 =	vadd.s32 s20, v0;
	v7 =	vand.u32 $0xF, v7;
	v10 =	vld.idx.msk [tilespmem:v10+s28+$0x0], $0xffff  }
0x12c: {  	s21 =	sand.u32 $0xF0, s19;
	v6 =	vand.u32 $0xF, v5;
	v5 =	vand.u32 $0xF, v8;
	v8 =	vand.u32 $0xF, v18  }
0x12d: {  	s17 =	simm.s32 $0x0;
	v22 =	vor.u32 s21, v7;
	v19 =	vor.u32 s21, v8;
	v18 =	vld.idx.msk [tilespmem:v9+s28+$0x0], $0xffff  }
0x12e: {  	v20 =	vor.u32 s17, v2;
	v22 =	vshll.u32 v22, $0x6;
	v19 =	vshll.u32 v19, $0x6  }
0x12f: {  	v19 =	vadd.s32 v20, v19;
	v9 =	vor.u32 s21, v6;
	v21 =	vld.idx.msk [tilespmem:v13+s28+$0x0], $0xffff;
	v13 =	vor.u32 s21, v5  }
0x130: {  	s20 =	simm.s32 $0x0;
	v9 =	vshll.u32 v9, $0x6;
	[tilespmem:v11+s9+$0x0] =	vst.idx.msk $0xffff, v10;
	v10 =	vshll.u32 v13, $0x6;
	v13 =	vor.u32 v1, v19  }
0x131: {  	s6 =	sand.u32 $0x8, s20;
	v11 =	vadd.s32 v20, v22;
	v19 =	vadd.s32 v20, v9  }
0x132: {  	s6 =	sadd.s32 $0x0, s6;
	[tilespmem:v14+s9+$0x0] =	vst.idx.msk $0xffff, v18;
	v10 =	vadd.s32 v20, v10;
	v14 =	vor.u32 v1, v19  }
0x133: {  	s21 =	sand.u32 $0x70, s19;
	v18 =	vmov s6;
	v9 =	vor.u32 v1, v11;
	v11 =	vor.u32 v1, v10  }
0x134: {  	v12 =	vor.u32 v12, v16;
	[tilespmem:v17+s9+$0x0] =	vst.idx.msk $0xffff, v21;
	v16 =	vshll.u32 v18, $0xA;
	v10 =	vld.idx.msk [tilespmem:v15+s28+$0x0], $0xffff;
	v15 =	vor.u32 s21, v3  }
.LBB2_14:
0x135: {  	s19 =	sadd.s32 $0x4, s19;
	v16 =	vor.u32 v4, v16;
	v6 =	vor.u32 v6, v15;
	v13 =	vld.idx.msk [tilespmem:v13+s28+$0x0], $0xffff;
	v8 =	vor.u32 v8, v15  }
0x136: {  	v7 =	vor.u32 v7, v15;
	v15 =	vor.u32 v5, v15;
	s6 =	sand.u32 $0xC, s19;
	p0 =	slt.u32 s19, $0x3FC;
	v17 =	vor.u32 v16, v8  }
0x137: {  	v19 =	vor.u32 v16, v7;
	v20 =	vor.u32 v16, v6;
	v18 =	vadd.s32 s6, v0;
	s16 =	sor.u32 $0x1, s6;
	s17 =	sor.u32 $0x2, s6;
	s6 =	sor.u32 $0x3, s6;
	v14 =	vld.idx.msk [tilespmem:v14+s28+$0x0], $0xffff  }
0x138: {  	v5 =	vadd.s32 s16, v0;
	v7 =	vadd.s32 s17, v0;
	v8 =	vadd.s32 s6, v0;
	v11 =	vld.idx.msk [tilespmem:v11+s28+$0x0], $0xffff  }
0x139: {  	s6 =	sshrl.u32 s19, $0x8;
	s16 =	sand.u32 $0xF0, s19;
	v6 =	vand.u32 $0xF, v5;
	v5 =	vand.u32 $0xF, v7;
	v8 =	vand.u32 $0xF, v8;
	v21 =	vld.idx.msk [tilespmem:v9+s28+$0x0], $0xffff;
	[tilespmem:v12+s9+$0x0] =	vst.idx.msk $0xffff, v10  }
0x13a: {  	v7 =	vand.u32 $0xF, v18;
	s17 =	sshll.u32 s6, $0x4;
	v9 =	vor.u32 s16, v6;
	v10 =	vor.u32 s16, v8  }
0x13b: {  	v12 =	vor.u32 s17, v2;
	v18 =	vor.u32 s16, v5;
	v10 =	vshll.u32 v10, $0x6;
	[tilespmem:v17+s9+$0x0] =	vst.idx.msk $0xffff, v13  }
0x13c: {  	v13 =	vor.u32 s16, v7;
	v9 =	vshll.u32 v9, $0x6;
	v22 =	vadd.s32 v12, v10  }
.Ltmp6:
0x13d: {  	s16 =	sshrl.u32 s19, $0x4;
	v18 =	vshll.u32 v18, $0x6;
	v17 =	vshll.u32 v13, $0x6;
	v13 =	vor.u32 v1, v22;
	[tilespmem:v20+s9+$0x0] =	vst.idx.msk $0xffff, v14;
	(pc) =	sbr.rel @p0 .LBB2_14-.Ltmp6, $4  }
0x13e: {  	s6 =	sshll.u32 s6, $0x1;
	s16 =	sand.u32 $0x8, s16;
	v14 =	vadd.s32 v12, v17;
	v17 =	vadd.s32 v12, v9;
	v12 =	vadd.s32 v12, v18;
	v10 =	vmovc v11  }
0x13f: {  	s6 =	sadd.s32 s6, s16;
	v9 =	vor.u32 v1, v14;
	v14 =	vor.u32 v1, v17;
	v11 =	vor.u32 v1, v12  }
0x140: {  	v17 =	vmov s6;
	s6 =	sand.u32 $0x70, s19;
	v12 =	vor.u32 v16, v15;
	[tilespmem:v19+s9+$0x0] =	vst.idx.msk $0xffff, v21  }
0x141: {  	v16 =	vshll.u32 v17, $0xA;
	v15 =	vor.u32 s6, v3  }
0x142: {  	_ =	sdelay $0x2  }
0x143: {  	v16 =	vor.u32 v4, v16;
	v8 =	vor.u32 v8, v15  }
0x144: {  	v6 =	vor.u32 v6, v15;
	v13 =	vld.idx.msk [tilespmem:v13+s28+$0x0], $0xffff;
	v8 =	vor.u32 v16, v8  }
0x145: {  	v7 =	vor.u32 v7, v15;
	v14 =	vld.idx.msk [tilespmem:v14+s28+$0x0], $0xffff;
	v6 =	vor.u32 v16, v6  }
0x146: {  	v5 =	vor.u32 v5, v15;
	v9 =	vld.idx.msk [tilespmem:v9+s28+$0x0], $0xffff;
	v7 =	vor.u32 v16, v7  }
0x147: {  	v11 =	vld.idx.msk [tilespmem:v11+s28+$0x0], $0xffff;
	v5 =	vor.u32 v16, v5  }
0x148: {  	[tilespmem:v12+s9+$0x0] =	vst.idx.msk $0xffff, v10  }
0x149: {  	[tilespmem:v8+s9+$0x0] =	vst.idx.msk $0xffff, v13  }
0x14a: {  	[tilespmem:v6+s9+$0x0] =	vst.idx.msk $0xffff, v14  }
0x14b: {  	[tilespmem:v7+s9+$0x0] =	vst.idx.msk $0xffff, v9  }
0x14c: {  	[tilespmem:v5+s9+$0x0] =	vst.idx.msk $0xffff, v11  }
0x14d: {  	s6 =	rddreg [dreg:$0xb]  }
0x14e: {  	[hbm4b:s6+s30] =	stream.strided.scatter [tilespmem:s9], [sflag:$0x6], $0x2000, s31, s30, $0x38;
	[tilespmem:$0x10200] =	vst v63  }
0x14f: {  	s20 =	rddreg [dreg:$0xd]  }
0x150: {  	[hbm4b:s20+s30] =	stream.strided.scatter [tilespmem:s11], [sflag:$0x6], $0x2000, s31, s30, $0x38;
	[tilespmem:$0x10200] =	vst v63  }
0x151: {  	_ =	swait.ge [sflag:s12], $0x2000  }
0x152: {  	[sflag:s12] =	ssyncset.done $0x0  }
0x153: {  	[sflag:s12] =	ssyncadd.s32 $0xFFFFE000  }
0x154: {  	_ =	swait.ge [sflag:s12], $0x2000  }
0x155: {  	[sflag:s12] =	ssyncset.done $0x0  }
0x156: {  	[sflag:s12] =	ssyncadd.s32 $0xFFFFE000  }
0x157: {  	_ =	swait.ge [sflag:s13], $0x2000  }
0x158: {  	[sflag:s13] =	ssyncset.done $0x0  }
0x159: {  	[sflag:s13] =	ssyncadd.s32 $0xFFFFE000  }
0x15a: {  	_ =	swait.ge [sflag:s13], $0x2000  }
0x15b: {  	s14 =	sadd.s32 $0x1, s14;
	s21 =	rddreg [dreg:$0xe]  }
0x15c: {  	p0 =	sne.s32 s14, s21  }
.Ltmp7:
0x15d: {  	_ = 	snop;
	(pc) =	sbr.rel @p0 .LBB2_1-.Ltmp7, $3  }
0x15e: {  	_ =	sdelay $0x1  }
0x15f: {  	[sflag:s13] =	ssyncset.done $0x0  }
0x160: {  	[sflag:s13] =	ssyncadd.s32 $0xFFFFE000  }
0x161: {  	_ =	sfence.sel $0x180000  }
0x162: {  	[bflag:$0x0] =	sbarrier.arrive $0xFFFF  }
0x163: {  	_ =	strace $0x90000047  }
0x164: {  	s0 =	stileid.u32;
	[bflag:$0x2] =	sbarrier.arrive $0xFFFF  }
0x165: {  	p0 =	sne.s32 s0, $0x0;
	s0 =	rddreg [dreg:$0x2]  }
0x166: {  	s0 =	sadd.s32 @!p0 $0x100000, s0  }
0x167: {  	[sflag:s0] =	ssyncadd.tile.s32 @!p0 $0x1;
	_ =	shalt  }
.Lfunc_end2:
_tile_overlayer_lowered:
.L_overlay_start_2:
0x168: {  	(tag) =	ssettag $0x2  }
0x169: {  	s0 =	rddreg [dreg:$0x0];
	s2 =	stileid.u32  }
0x16a: {  	s1 =	rddreg [dreg:$0x1];
	p0 =	sne.s32 s2, $0x0  }
0x16b: {  	s3 =	rddreg [dreg:$0x2];
	[bflag:$0x3] =	sbarrier.arrive $0xFFFF;
	s2 =	simm.s32 @!p0 $0x1C07  }
0x16c: {  	[timem:s3], [sflag:s2] =	dma.local @!p0 [hbm:s0], s1  }
0x16d: {  	s0 =	simm.s32 @!p0 $0x7  }
0x16e: {  	_ =	swait.ge @!p0 [sflag:s0], s1  }
0x16f: {  	s1 =	ssub.s32 @!p0 $0x0, s1;
	[sflag:s0] =	ssyncset.done @!p0 $0x0  }
0x170: {  	[sflag:s0] =	ssyncadd.s32 @!p0 s1  }
0x171: {  	[bflag:$0x3] =	sbarrier.arrive $0xFFFF  }
0x172: {  	_ =	shalt  }

</sc_bundles>
